<compile_context>
chip_gen: v7x
topology: tpu7x:2x2x1
jax: 0.10.2.dev20260603
libtpu: 0.0.44.dev20260713+nightly
codegen_flags: <defaults>
</compile_context>

<pallas_src>
import functools

import jax
import jax.numpy as jnp
from jax import lax
from jax.experimental import pallas as pl
from jax.experimental.pallas import tpu as pltpu
from jax.experimental.pallas import tpu_sc as plsc

N = 10000
E = 320000
D = 128

NP = 10240
NC = 2
NS = 16
NW = NC * NS
EB = 128
NB = 2560
NBW = NB // NW
EPAD = NB * EB
RPT = NP // NS
DG = 128
CHB = 40
NCH = NBW // CHB

_mesh = plsc.VectorSubcoreMesh(core_axis_name="c", subcore_axis_name="s")



@functools.partial(
    pl.kernel,
    mesh=_mesh,
    out_type=[jax.ShapeDtypeStruct((NP, D), jnp.float32),
              jax.ShapeDtypeStruct((NP, D), jnp.float32)],
    scratch_types=[
        pltpu.VMEM((CHB, EB), jnp.int32),
        pltpu.VMEM((CHB, EB), jnp.int32),
        pltpu.VMEM((EB, D), jnp.float32),
        pltpu.VMEM((EB, D), jnp.float32),
        pltpu.VMEM_SHARED((NP, D), jnp.float32),
        pltpu.SemaphoreType.DMA,
        pltpu.SemaphoreType.DMA,
    ],
)
def _sc_scatter(g_hbm, src_hbm, dst_hbm, zeros_hbm, out_a_hbm, out_b_hbm,
                sidx, didx, rows_a, rows_b, acc, sem_a, sem_b):
    c = lax.axis_index("c")
    s = lax.axis_index("s")
    wid = s * NC + c
    pltpu.sync_copy(zeros_hbm.at[pl.ds(s * RPT, RPT)],
                    acc.at[pl.ds(s * RPT, RPT)])
    plsc.subcore_barrier()

    def gath(j, buf, sem):
        return pltpu.make_async_copy(g_hbm.at[sidx.at[j]], buf, sem)

    row0 = wid * NBW

    def chunk(p, carry):
        pltpu.sync_copy(src_hbm.at[pl.ds(row0 + p * CHB, CHB)], sidx)
        pltpu.sync_copy(dst_hbm.at[pl.ds(row0 + p * CHB, CHB)], didx)
        gath(0, rows_a, sem_a).start()

        def body(i, c2):
            gath(i * 2, rows_a, sem_a).wait()
            gath(i * 2 + 1, rows_b, sem_b).start()
            pltpu.sync_copy(rows_a, acc.at[didx.at[i * 2]], add=True)

            @pl.when(i < CHB // 2 - 1)
            def _():
                gath(i * 2 + 2, rows_a, sem_a).start()

            gath(i * 2 + 1, rows_b, sem_b).wait()
            pltpu.sync_copy(rows_b, acc.at[didx.at[i * 2 + 1]], add=True)
            return c2

        lax.fori_loop(0, CHB // 2, body, 0)
        return carry

    lax.fori_loop(0, NCH, chunk, 0)
    plsc.subcore_barrier()

    @pl.when(c == 0)
    def _():
        pltpu.sync_copy(acc.at[pl.ds(s * RPT, RPT)],
                        out_a_hbm.at[pl.ds(s * RPT, RPT)])

    @pl.when(c == 1)
    def _():
        pltpu.sync_copy(acc.at[pl.ds(s * RPT, RPT)],
                        out_b_hbm.at[pl.ds(s * RPT, RPT)])


@functools.partial(
    pl.kernel,
    mesh=_mesh,
    out_type=jax.ShapeDtypeStruct((NC, NP, D), jnp.float32),
    scratch_types=[
        pltpu.VMEM((NBW, EB), jnp.int32),
        pltpu.VMEM((EB, D), jnp.float32),
        pltpu.VMEM_SHARED((NP, D), jnp.float32),
    ],
)
def _sc_degree(dst_hbm, zeros_hbm, ones_hbm, out_hbm, didx, ones_v, acc):
    c = lax.axis_index("c")
    s = lax.axis_index("s")
    wid = s * NC + c
    pltpu.sync_copy(zeros_hbm.at[pl.ds(s * RPT, RPT)],
                    acc.at[pl.ds(s * RPT, RPT)])
    pltpu.sync_copy(dst_hbm.at[pl.ds(wid * NBW, NBW)], didx)
    pltpu.sync_copy(ones_hbm, ones_v)
    plsc.subcore_barrier()

    def body(i, carry):
        pltpu.sync_copy(ones_v, acc.at[didx.at[i * 2]], add=True)
        pltpu.sync_copy(ones_v, acc.at[didx.at[i * 2 + 1]], add=True)
        return carry

    lax.fori_loop(0, NBW // 2, body, 0)
    plsc.subcore_barrier()
    pltpu.sync_copy(acc.at[pl.ds(s * RPT, RPT)],
                    out_hbm.at[c, pl.ds(s * RPT, RPT)])



_RB = 512
_GRID = NP // _RB


_DW = 8


def _tc_first_body(degp_ref, x_ref, w_ref, g_ref, dis_ref):
    degp = degp_ref[...]
    dis = lax.rsqrt(degp[0, :, 0] + degp[1, :, 0] + 1.0)
    dis_ref[...] = jnp.broadcast_to(dis[:, None], (_RB, _DW))
    h = jnp.dot(x_ref[...], w_ref[...], preferred_element_type=jnp.float32)
    g_ref[...] = h * dis[:, None]


def _tc_mid_body(dis_ref, sa_ref, sb_ref, g_ref, w_ref, b_ref, gn_ref):
    dis = dis_ref[...][:, 0]
    agg = (sa_ref[...] + sb_ref[...] + g_ref[...]) * dis[:, None] + b_ref[...]
    h = jnp.maximum(agg, 0.0)
    gn_ref[...] = jnp.dot(h, w_ref[...],
                          preferred_element_type=jnp.float32) * dis[:, None]


def _tc_last_body(dis_ref, sa_ref, sb_ref, g_ref, b_ref, out_ref):
    dis = dis_ref[...][:, 0]
    out_ref[...] = ((sa_ref[...] + sb_ref[...] + g_ref[...]) * dis[:, None]
                    + b_ref[...])


_degp_spec = pl.BlockSpec((NC, _RB, D), lambda i: (0, i, 0))
_rows_spec = pl.BlockSpec((_RB, D), lambda i: (i, 0))
_dis_spec = pl.BlockSpec((_RB, _DW), lambda i: (i, 0))
_w_spec = pl.BlockSpec((D, D), lambda i: (0, 0))
_b_spec = pl.BlockSpec((1, D), lambda i: (0, 0))
_out_rows = jax.ShapeDtypeStruct((NP, D), jnp.float32)
_out_dis = jax.ShapeDtypeStruct((NP, _DW), jnp.float32)

_tc_first = pl.pallas_call(
    _tc_first_body, grid=(_GRID,),
    in_specs=[_degp_spec, _rows_spec, _w_spec],
    out_specs=[_rows_spec, _dis_spec], out_shape=[_out_rows, _out_dis])

_tc_mid = pl.pallas_call(
    _tc_mid_body, grid=(_GRID,),
    in_specs=[_dis_spec, _rows_spec, _rows_spec, _rows_spec, _w_spec,
              _b_spec],
    out_specs=_rows_spec, out_shape=_out_rows)

_tc_last = pl.pallas_call(
    _tc_last_body, grid=(_GRID,),
    in_specs=[_dis_spec, _rows_spec, _rows_spec, _rows_spec, _b_spec],
    out_specs=_rows_spec, out_shape=_out_rows)



def kernel(x, edge_index, W1, b1, W2, b2, W3, b3):
    x_pad = jnp.zeros((NP, D), x.dtype).at[:N].set(x)
    pad = N + (jnp.arange(EPAD - E, dtype=jnp.int32) % EB)
    src = jnp.concatenate([edge_index[0], pad]).reshape(NB, EB)
    dstf = jnp.concatenate([edge_index[1], pad])
    dst = dstf.reshape(NB, EB)
    zeros_nd = jnp.zeros((NP, D), jnp.float32)
    ones_ed = jnp.ones((EB, D), jnp.float32)
    b1r = b1.reshape(1, D)
    b2r = b2.reshape(1, D)
    b3r = b3.reshape(1, D)

    degp = _sc_degree(dst, zeros_nd, ones_ed)
    g1, dis2 = _tc_first(degp, x_pad, W1)
    s1a, s1b = _sc_scatter(g1, src, dst, zeros_nd)
    g2 = _tc_mid(dis2, s1a, s1b, g1, W2, b1r)
    s2a, s2b = _sc_scatter(g2, src, dst, zeros_nd)
    g3 = _tc_mid(dis2, s2a, s2b, g2, W3, b2r)
    s3a, s3b = _sc_scatter(g3, src, dst, zeros_nd)
    out = _tc_last(dis2, s3a, s3b, g3, b3r)
    return out[:N]

# --- scband reference (transcript-rebuilt; emitter-appended) ---
"""Pipeline reference for scband-arithmetic-circuit-gnn-37950331027551 (READ-ONLY COPY).

The authoritative reference and input builder live on the scoring server;
editing this copy changes nothing except your own understanding.
"""

import jax, jax.numpy as jnp
import numpy as np

N = 10000
E = 320000
D_IN = 128
D_HID = 128
D_EMB = 128


def setup_inputs(seed: int = 0) -> dict:
    key = jax.random.key(seed)
    ks = jax.random.split(key, 9)
    x = jax.random.normal(ks[0], (N, D_IN), dtype=jnp.float32)
    edge_index = jax.random.randint(ks[1], (2, E), 0, N, dtype=jnp.int32)
    W1 = jax.random.normal(ks[2], (D_IN, D_HID), dtype=jnp.float32) * (1.0 / np.sqrt(D_IN))
    b1 = jnp.zeros((D_HID,), dtype=jnp.float32)
    W2 = jax.random.normal(ks[3], (D_HID, D_HID), dtype=jnp.float32) * (1.0 / np.sqrt(D_HID))
    b2 = jnp.zeros((D_HID,), dtype=jnp.float32)
    W3 = jax.random.normal(ks[4], (D_HID, D_EMB), dtype=jnp.float32) * (1.0 / np.sqrt(D_HID))
    b3 = jnp.zeros((D_EMB,), dtype=jnp.float32)
    return {"x": x, "edge_index": edge_index, "W1": W1, "b1": b1, "W2": W2, "b2": b2, "W3": W3, "b3": b3}


def gcn_conv(x, src, dst, norm, W, b):
    # GCNConv: x' = D^{-1/2} (A + I) D^{-1/2} X W + b
    h = x @ W
    msg = h[src] * norm[:, None]
    out = jnp.zeros((N, W.shape[1]), dtype=h.dtype).at[dst].add(msg)
    return out + b


def gcn_norm(edge_index):
    loop = jnp.arange(N, dtype=edge_index.dtype)
    src = jnp.concatenate([edge_index[0], loop])
    dst = jnp.concatenate([edge_index[1], loop])
    deg = jnp.zeros((N,), dtype=jnp.float32).at[dst].add(1.0)
    deg_inv_sqrt = jnp.where(deg > 0, 1.0 / jnp.sqrt(deg), 0.0)
    norm = deg_inv_sqrt[src] * deg_inv_sqrt[dst]
    return src, dst, norm


def reference(x, edge_index, W1, b1, W2, b2, W3, b3):
    src, dst, norm = gcn_norm(edge_index)
    h = jax.nn.relu(gcn_conv(x, src, dst, norm, W1, b1))
    h = jax.nn.relu(gcn_conv(h, src, dst, norm, W2, b2))
    h = gcn_conv(h, src, dst, norm, W3, b3)
    return h

if __name__ == "__main__":
    import jax
    _d = setup_inputs()
    print(jax.jit(kernel)(*tuple(_d.values())))

</pallas_src>

<mosaic_0001>
#map = affine_map<(d0, d1) -> (0, 0)>
module attributes {stable_mosaic.version = 14 : i64} {
  func.func @_sc_scatter(%arg0: i32, %arg1: i32, %arg2: memref<10240x128xf32, #tpu.memory_space<hbm>>, %arg3: memref<2560x128xi32, #tpu.memory_space<hbm>>, %arg4: memref<2560x128xi32, #tpu.memory_space<hbm>>, %arg5: memref<10240x128xf32, #tpu.memory_space<hbm>>, %arg6: memref<10240x128xf32, #tpu.memory_space<hbm>>, %arg7: memref<10240x128xf32, #tpu.memory_space<hbm>>, %arg8: memref<40x128xi32, #tpu.memory_space<vmem>>, %arg9: memref<40x128xi32, #tpu.memory_space<vmem>>, %arg10: memref<128x128xf32, #tpu.memory_space<vmem>>, %arg11: memref<128x128xf32, #tpu.memory_space<vmem>>, %arg12: memref<10240x128xf32, #tpu.memory_space<vmem_shared>>, %arg13: memref<!tpu.dma_semaphore, #tpu.memory_space<semaphore_mem>>, %arg14: memref<!tpu.dma_semaphore, #tpu.memory_space<semaphore_mem>>) attributes {dimension_semantics = [#tpu.dimension_semantics<core_parallel>, #tpu.dimension_semantics<subcore_parallel>], iteration_bounds = array<i64: 2, 16>, scalar_prefetch = 0 : i64, scratch_operands = 7 : i64, tpu.core_type = #tpu.core_type<sc_vector_subcore>, window_params = [{transform_indices = #map}, {transform_indices = #map}, {transform_indices = #map}, {transform_indices = #map}, {transform_indices = #map}, {transform_indices = #map}]} {
    %mul3A = arith.constant 2 : i32
    %mul3A_0 = arith.muli %arg1, %mul3A : i32
    %add3A = arith.addi %mul3A_0, %arg0 : i32
    %mul3A_1 = arith.constant 640 : i32
    %mul3A_2 = arith.muli %arg1, %mul3A_1 : i32
    %mul3A_3 = arith.constant 640 : i32
    %mul3A_4 = arith.muli %arg1, %mul3A_3 : i32
    "tpu.region"() ({
      %run_scoped3A = tpu.sem_alloc : memref<!tpu.dma_semaphore, #tpu.memory_space<semaphore_mem>>
      %dma_start3A = arith.constant 0 : i32
      %dma_start3A_20 = tpu.memref_slice %arg12[%mul3A_4, %dma_start3A] : memref<10240x128xf32, #tpu.memory_space<vmem_shared>> -> memref<640x128xf32, #tpu.memory_space<vmem_shared>>
      %dma_start3A_21 = arith.constant 0 : i32
      %dma_start3A_22 = tpu.memref_slice %arg5[%mul3A_2, %dma_start3A_21] : memref<10240x128xf32, #tpu.memory_space<hbm>> -> memref<640x128xf32, #tpu.memory_space<hbm>>
      tpu.enqueue_dma source(%dma_start3A_22 : memref<640x128xf32, #tpu.memory_space<hbm>>) target(%dma_start3A_20 : memref<640x128xf32, #tpu.memory_space<vmem_shared>>) target_semaphore(%run_scoped3A : memref<!tpu.dma_semaphore, #tpu.memory_space<semaphore_mem>>)
      %dma_wait3A = arith.constant 0 : i32
      %dma_wait3A_23 = tpu.memref_slice %arg12[%mul3A_4, %dma_wait3A] : memref<10240x128xf32, #tpu.memory_space<vmem_shared>> -> memref<640x128xf32, #tpu.memory_space<vmem_shared>>
      %dma_wait3A_24 = arith.constant 0 : i32
      %dma_wait3A_25 = tpu.memref_slice %arg5[%mul3A_2, %dma_wait3A_24] : memref<10240x128xf32, #tpu.memory_space<hbm>> -> memref<640x128xf32, #tpu.memory_space<hbm>>
      tpu.wait_dma2 semaphore(%run_scoped3A : memref<!tpu.dma_semaphore, #tpu.memory_space<semaphore_mem>>) src(%dma_wait3A_25 : memref<640x128xf32, #tpu.memory_space<hbm>>) dst(%dma_wait3A_23 : memref<640x128xf32, #tpu.memory_space<vmem_shared>>)
      tpu.yield
    }) : () -> ()
    %barrier3A = arith.constant 0 : index
    tpu.barrier barrier_id(%barrier3A)
    %mul3A_5 = arith.constant 80 : i32
    %mul3A_6 = arith.muli %add3A, %mul3A_5 : i32
    %scan3A = arith.constant 0 : i32
    %scan3A_7 = arith.constant 0 : i32
    %scan3A_8 = arith.constant 2 : i32
    %scan3A_9 = arith.addi %scan3A_7, %scan3A_8 : i32
    %scan3A_10 = arith.constant 1 : i32
    scf.for %scan3A_20 = %scan3A_7 to %scan3A_9 step %scan3A_10  : i32 {
      %mul3A_21 = arith.constant 40 : i32
      %mul3A_22 = arith.muli %scan3A_20, %mul3A_21 : i32
      %add3A_23 = arith.addi %mul3A_6, %mul3A_22 : i32
      "tpu.region"() ({
        %run_scoped3A = tpu.sem_alloc : memref<!tpu.dma_semaphore, #tpu.memory_space<semaphore_mem>>
        %dma_start3A_39 = arith.constant 0 : i32
        %dma_start3A_40 = tpu.memref_slice %arg3[%add3A_23, %dma_start3A_39] : memref<2560x128xi32, #tpu.memory_space<hbm>> -> memref<40x128xi32, #tpu.memory_space<hbm>>
        %dma_start3A_41 = arith.constant 0 : i32
        %dma_start3A_42 = tpu.memref_slice %arg3[%add3A_23, %dma_start3A_41] : memref<2560x128xi32, #tpu.memory_space<hbm>> -> memref<40x128xi32, #tpu.memory_space<hbm>>
        tpu.enqueue_dma source(%dma_start3A_42 : memref<40x128xi32, #tpu.memory_space<hbm>>) target(%arg8 : memref<40x128xi32, #tpu.memory_space<vmem>>) target_semaphore(%run_scoped3A : memref<!tpu.dma_semaphore, #tpu.memory_space<semaphore_mem>>)
        %dma_wait3A = arith.constant 0 : i32
        %dma_wait3A_43 = tpu.memref_slice %arg3[%add3A_23, %dma_wait3A] : memref<2560x128xi32, #tpu.memory_space<hbm>> -> memref<40x128xi32, #tpu.memory_space<hbm>>
        %dma_wait3A_44 = arith.constant 0 : i32
        %dma_wait3A_45 = tpu.memref_slice %arg3[%add3A_23, %dma_wait3A_44] : memref<2560x128xi32, #tpu.memory_space<hbm>> -> memref<40x128xi32, #tpu.memory_space<hbm>>
        tpu.wait_dma2 semaphore(%run_scoped3A : memref<!tpu.dma_semaphore, #tpu.memory_space<semaphore_mem>>) src(%dma_wait3A_45 : memref<40x128xi32, #tpu.memory_space<hbm>>) dst(%arg8 : memref<40x128xi32, #tpu.memory_space<vmem>>)
        tpu.yield
      }) : () -> ()
      %mul3A_24 = arith.constant 40 : i32
      %mul3A_25 = arith.muli %scan3A_20, %mul3A_24 : i32
      %add3A_26 = arith.addi %mul3A_6, %mul3A_25 : i32
      "tpu.region"() ({
        %run_scoped3A = tpu.sem_alloc : memref<!tpu.dma_semaphore, #tpu.memory_space<semaphore_mem>>
        %dma_start3A_39 = arith.constant 0 : i32
        %dma_start3A_40 = tpu.memref_slice %arg4[%add3A_26, %dma_start3A_39] : memref<2560x128xi32, #tpu.memory_space<hbm>> -> memref<40x128xi32, #tpu.memory_space<hbm>>
        %dma_start3A_41 = arith.constant 0 : i32
        %dma_start3A_42 = tpu.memref_slice %arg4[%add3A_26, %dma_start3A_41] : memref<2560x128xi32, #tpu.memory_space<hbm>> -> memref<40x128xi32, #tpu.memory_space<hbm>>
        tpu.enqueue_dma source(%dma_start3A_42 : memref<40x128xi32, #tpu.memory_space<hbm>>) target(%arg9 : memref<40x128xi32, #tpu.memory_space<vmem>>) target_semaphore(%run_scoped3A : memref<!tpu.dma_semaphore, #tpu.memory_space<semaphore_mem>>)
        %dma_wait3A = arith.constant 0 : i32
        %dma_wait3A_43 = tpu.memref_slice %arg4[%add3A_26, %dma_wait3A] : memref<2560x128xi32, #tpu.memory_space<hbm>> -> memref<40x128xi32, #tpu.memory_space<hbm>>
        %dma_wait3A_44 = arith.constant 0 : i32
        %dma_wait3A_45 = tpu.memref_slice %arg4[%add3A_26, %dma_wait3A_44] : memref<2560x128xi32, #tpu.memory_space<hbm>> -> memref<40x128xi32, #tpu.memory_space<hbm>>
        tpu.wait_dma2 semaphore(%run_scoped3A : memref<!tpu.dma_semaphore, #tpu.memory_space<semaphore_mem>>) src(%dma_wait3A_45 : memref<40x128xi32, #tpu.memory_space<hbm>>) dst(%arg9 : memref<40x128xi32, #tpu.memory_space<vmem>>)
        tpu.yield
      }) : () -> ()
      %dma_start3A = arith.constant 0 : i32
      %dma_start3A_27 = arith.constant 0 : i32
      %dma_start3A_28 = tpu.memref_slice %arg8[%dma_start3A, %dma_start3A_27] : memref<40x128xi32, #tpu.memory_space<vmem>> -> memref<1x128xi32, #tpu.memory_space<vmem>>
      %dma_start3A_29 = tpu.memref_squeeze %dma_start3A_28 : memref<1x128xi32, #tpu.memory_space<vmem>> -> memref<128xi32, #tpu.memory_space<vmem>>
      %dma_start3A_30 = arith.constant 0 : i32
      %dma_start3A_31 = arith.constant 0 : i32
      %dma_start3A_32 = tpu.memref_slice %arg2[%dma_start3A_30, %dma_start3A_31] : memref<10240x128xf32, #tpu.memory_space<hbm>> -> memref<10240x128xf32, #tpu.memory_space<hbm>>
      tpu.enqueue_indirect_dma source(%dma_start3A_32 : memref<10240x128xf32, #tpu.memory_space<hbm>>) target(%arg10 : memref<128x128xf32, #tpu.memory_space<vmem>>) offsets(%dma_start3A_29 : memref<128xi32, #tpu.memory_space<vmem>>) semaphore(%arg13 : memref<!tpu.dma_semaphore, #tpu.memory_space<semaphore_mem>>)
      %scan3A_33 = arith.constant 0 : i32
      %scan3A_34 = arith.constant 0 : i32
      %scan3A_35 = arith.constant 20 : i32
      %scan3A_36 = arith.addi %scan3A_34, %scan3A_35 : i32
      %scan3A_37 = arith.constant 1 : i32
      scf.for %scan3A_39 = %scan3A_34 to %scan3A_36 step %scan3A_37  : i32 {
        %mul3A_40 = arith.constant 2 : i32
        %mul3A_41 = arith.muli %scan3A_39, %mul3A_40 : i32
        %dma_wait3A = arith.constant 0 : i32
        %dma_wait3A_42 = tpu.memref_slice %arg8[%mul3A_41, %dma_wait3A] : memref<40x128xi32, #tpu.memory_space<vmem>> -> memref<1x128xi32, #tpu.memory_space<vmem>>
        %dma_wait3A_43 = tpu.memref_squeeze %dma_wait3A_42 : memref<1x128xi32, #tpu.memory_space<vmem>> -> memref<128xi32, #tpu.memory_space<vmem>>
        %dma_wait3A_44 = arith.constant 0 : i32
        %dma_wait3A_45 = arith.constant 0 : i32
        %dma_wait3A_46 = tpu.memref_slice %arg2[%dma_wait3A_44, %dma_wait3A_45] : memref<10240x128xf32, #tpu.memory_space<hbm>> -> memref<10240x128xf32, #tpu.memory_space<hbm>>
        tpu.wait_indirect_dma semaphore(%arg13 : memref<!tpu.dma_semaphore, #tpu.memory_space<semaphore_mem>>) src(%dma_wait3A_46 : memref<10240x128xf32, #tpu.memory_space<hbm>>) dst(%arg10 : memref<128x128xf32, #tpu.memory_space<vmem>>)
        %mul3A_47 = arith.constant 2 : i32
        %mul3A_48 = arith.muli %scan3A_39, %mul3A_47 : i32
        %add3A_49 = arith.constant 1 : i32
        %add3A_50 = arith.addi %mul3A_48, %add3A_49 : i32
        %dma_start3A_51 = arith.constant 0 : i32
        %dma_start3A_52 = tpu.memref_slice %arg8[%add3A_50, %dma_start3A_51] : memref<40x128xi32, #tpu.memory_space<vmem>> -> memref<1x128xi32, #tpu.memory_space<vmem>>
        %dma_start3A_53 = tpu.memref_squeeze %dma_start3A_52 : memref<1x128xi32, #tpu.memory_space<vmem>> -> memref<128xi32, #tpu.memory_space<vmem>>
        %dma_start3A_54 = arith.constant 0 : i32
        %dma_start3A_55 = arith.constant 0 : i32
        %dma_start3A_56 = tpu.memref_slice %arg2[%dma_start3A_54, %dma_start3A_55] : memref<10240x128xf32, #tpu.memory_space<hbm>> -> memref<10240x128xf32, #tpu.memory_space<hbm>>
        tpu.enqueue_indirect_dma source(%dma_start3A_56 : memref<10240x128xf32, #tpu.memory_space<hbm>>) target(%arg11 : memref<128x128xf32, #tpu.memory_space<vmem>>) offsets(%dma_start3A_53 : memref<128xi32, #tpu.memory_space<vmem>>) semaphore(%arg14 : memref<!tpu.dma_semaphore, #tpu.memory_space<semaphore_mem>>)
        %mul3A_57 = arith.constant 2 : i32
        %mul3A_58 = arith.muli %scan3A_39, %mul3A_57 : i32
        "tpu.region"() ({
          %run_scoped3A = tpu.sem_alloc : memref<!tpu.dma_semaphore, #tpu.memory_space<semaphore_mem>>
          %dma_start3A_77 = arith.constant 0 : i32
          %dma_start3A_78 = tpu.memref_slice %arg9[%mul3A_58, %dma_start3A_77] : memref<40x128xi32, #tpu.memory_space<vmem>> -> memref<1x128xi32, #tpu.memory_space<vmem>>
          %dma_start3A_79 = tpu.memref_squeeze %dma_start3A_78 : memref<1x128xi32, #tpu.memory_space<vmem>> -> memref<128xi32, #tpu.memory_space<vmem>>
          %dma_start3A_80 = arith.constant 0 : i32
          %dma_start3A_81 = arith.constant 0 : i32
          %dma_start3A_82 = tpu.memref_slice %arg12[%dma_start3A_80, %dma_start3A_81] : memref<10240x128xf32, #tpu.memory_space<vmem_shared>> -> memref<10240x128xf32, #tpu.memory_space<vmem_shared>>
          tpu.enqueue_indirect_dma source(%arg10 : memref<128x128xf32, #tpu.memory_space<vmem>>) target(%dma_start3A_82 : memref<10240x128xf32, #tpu.memory_space<vmem_shared>>) offsets(%dma_start3A_79 : memref<128xi32, #tpu.memory_space<vmem>>) semaphore(%run_scoped3A : memref<!tpu.dma_semaphore, #tpu.memory_space<semaphore_mem>>) {add = true}
          %dma_wait3A_83 = arith.constant 0 : i32
          %dma_wait3A_84 = tpu.memref_slice %arg9[%mul3A_58, %dma_wait3A_83] : memref<40x128xi32, #tpu.memory_space<vmem>> -> memref<1x128xi32, #tpu.memory_space<vmem>>
          %dma_wait3A_85 = tpu.memref_squeeze %dma_wait3A_84 : memref<1x128xi32, #tpu.memory_space<vmem>> -> memref<128xi32, #tpu.memory_space<vmem>>
          %dma_wait3A_86 = arith.constant 0 : i32
          %dma_wait3A_87 = arith.constant 0 : i32
          %dma_wait3A_88 = tpu.memref_slice %arg12[%dma_wait3A_86, %dma_wait3A_87] : memref<10240x128xf32, #tpu.memory_space<vmem_shared>> -> memref<10240x128xf32, #tpu.memory_space<vmem_shared>>
          tpu.wait_indirect_dma semaphore(%run_scoped3A : memref<!tpu.dma_semaphore, #tpu.memory_space<semaphore_mem>>) src(%arg10 : memref<128x128xf32, #tpu.memory_space<vmem>>) dst(%dma_wait3A_88 : memref<10240x128xf32, #tpu.memory_space<vmem_shared>>)
          tpu.yield
        }) : () -> ()
        %lt3A = arith.constant 19 : i32
        %lt3A_59 = arith.cmpi slt, %scan3A_39, %lt3A : i32
        %convert_element_type3A_60 = arith.extui %lt3A_59 : i1 to i32
        %cond3A_61 = arith.constant 0 : i32
        %cond3A_62 = arith.cmpi ne, %convert_element_type3A_60, %cond3A_61 : i32
        scf.if %cond3A_62 {
          %mul3A_77 = arith.constant 2 : i32
          %mul3A_78 = arith.muli %scan3A_39, %mul3A_77 : i32
          %add3A_79 = arith.constant 2 : i32
          %add3A_80 = arith.addi %mul3A_78, %add3A_79 : i32
          %dma_start3A_81 = arith.constant 0 : i32
          %dma_start3A_82 = tpu.memref_slice %arg8[%add3A_80, %dma_start3A_81] : memref<40x128xi32, #tpu.memory_space<vmem>> -> memref<1x128xi32, #tpu.memory_space<vmem>>
          %dma_start3A_83 = tpu.memref_squeeze %dma_start3A_82 : memref<1x128xi32, #tpu.memory_space<vmem>> -> memref<128xi32, #tpu.memory_space<vmem>>
          %dma_start3A_84 = arith.constant 0 : i32
          %dma_start3A_85 = arith.constant 0 : i32
          %dma_start3A_86 = tpu.memref_slice %arg2[%dma_start3A_84, %dma_start3A_85] : memref<10240x128xf32, #tpu.memory_space<hbm>> -> memref<10240x128xf32, #tpu.memory_space<hbm>>
          tpu.enqueue_indirect_dma source(%dma_start3A_86 : memref<10240x128xf32, #tpu.memory_space<hbm>>) target(%arg10 : memref<128x128xf32, #tpu.memory_space<vmem>>) offsets(%dma_start3A_83 : memref<128xi32, #tpu.memory_space<vmem>>) semaphore(%arg13 : memref<!tpu.dma_semaphore, #tpu.memory_space<semaphore_mem>>)
        } else {
        }
        %mul3A_63 = arith.constant 2 : i32
        %mul3A_64 = arith.muli %scan3A_39, %mul3A_63 : i32
        %add3A_65 = arith.constant 1 : i32
        %add3A_66 = arith.addi %mul3A_64, %add3A_65 : i32
        %dma_wait3A_67 = arith.constant 0 : i32
        %dma_wait3A_68 = tpu.memref_slice %arg8[%add3A_66, %dma_wait3A_67] : memref<40x128xi32, #tpu.memory_space<vmem>> -> memref<1x128xi32, #tpu.memory_space<vmem>>
        %dma_wait3A_69 = tpu.memref_squeeze %dma_wait3A_68 : memref<1x128xi32, #tpu.memory_space<vmem>> -> memref<128xi32, #tpu.memory_space<vmem>>
        %dma_wait3A_70 = arith.constant 0 : i32
        %dma_wait3A_71 = arith.constant 0 : i32
        %dma_wait3A_72 = tpu.memref_slice %arg2[%dma_wait3A_70, %dma_wait3A_71] : memref<10240x128xf32, #tpu.memory_space<hbm>> -> memref<10240x128xf32, #tpu.memory_space<hbm>>
        tpu.wait_indirect_dma semaphore(%arg14 : memref<!tpu.dma_semaphore, #tpu.memory_space<semaphore_mem>>) src(%dma_wait3A_72 : memref<10240x128xf32, #tpu.memory_space<hbm>>) dst(%arg11 : memref<128x128xf32, #tpu.memory_space<vmem>>)
        %mul3A_73 = arith.constant 2 : i32
        %mul3A_74 = arith.muli %scan3A_39, %mul3A_73 : i32
        %add3A_75 = arith.constant 1 : i32
        %add3A_76 = arith.addi %mul3A_74, %add3A_75 : i32
        "tpu.region"() ({
          %run_scoped3A = tpu.sem_alloc : memref<!tpu.dma_semaphore, #tpu.memory_space<semaphore_mem>>
          %dma_start3A_77 = arith.constant 0 : i32
          %dma_start3A_78 = tpu.memref_slice %arg9[%add3A_76, %dma_start3A_77] : memref<40x128xi32, #tpu.memory_space<vmem>> -> memref<1x128xi32, #tpu.memory_space<vmem>>
          %dma_start3A_79 = tpu.memref_squeeze %dma_start3A_78 : memref<1x128xi32, #tpu.memory_space<vmem>> -> memref<128xi32, #tpu.memory_space<vmem>>
          %dma_start3A_80 = arith.constant 0 : i32
          %dma_start3A_81 = arith.constant 0 : i32
          %dma_start3A_82 = tpu.memref_slice %arg12[%dma_start3A_80, %dma_start3A_81] : memref<10240x128xf32, #tpu.memory_space<vmem_shared>> -> memref<10240x128xf32, #tpu.memory_space<vmem_shared>>
          tpu.enqueue_indirect_dma source(%arg11 : memref<128x128xf32, #tpu.memory_space<vmem>>) target(%dma_start3A_82 : memref<10240x128xf32, #tpu.memory_space<vmem_shared>>) offsets(%dma_start3A_79 : memref<128xi32, #tpu.memory_space<vmem>>) semaphore(%run_scoped3A : memref<!tpu.dma_semaphore, #tpu.memory_space<semaphore_mem>>) {add = true}
          %dma_wait3A_83 = arith.constant 0 : i32
          %dma_wait3A_84 = tpu.memref_slice %arg9[%add3A_76, %dma_wait3A_83] : memref<40x128xi32, #tpu.memory_space<vmem>> -> memref<1x128xi32, #tpu.memory_space<vmem>>
          %dma_wait3A_85 = tpu.memref_squeeze %dma_wait3A_84 : memref<1x128xi32, #tpu.memory_space<vmem>> -> memref<128xi32, #tpu.memory_space<vmem>>
          %dma_wait3A_86 = arith.constant 0 : i32
          %dma_wait3A_87 = arith.constant 0 : i32
          %dma_wait3A_88 = tpu.memref_slice %arg12[%dma_wait3A_86, %dma_wait3A_87] : memref<10240x128xf32, #tpu.memory_space<vmem_shared>> -> memref<10240x128xf32, #tpu.memory_space<vmem_shared>>
          tpu.wait_indirect_dma semaphore(%run_scoped3A : memref<!tpu.dma_semaphore, #tpu.memory_space<semaphore_mem>>) src(%arg11 : memref<128x128xf32, #tpu.memory_space<vmem>>) dst(%dma_wait3A_88 : memref<10240x128xf32, #tpu.memory_space<vmem_shared>>)
          tpu.yield
        }) : () -> ()
      }
      %scan3A_38 = arith.constant 20 : i32
    }
    %scan3A_11 = arith.constant 2 : i32
    %barrier3A_12 = arith.constant 0 : index
    tpu.barrier barrier_id(%barrier3A_12)
    %eq3A = arith.constant 0 : i32
    %eq3A_13 = arith.cmpi eq, %arg0, %eq3A : i32
    %convert_element_type3A = arith.extui %eq3A_13 : i1 to i32
    %cond3A = arith.constant 0 : i32
    %cond3A_14 = arith.cmpi ne, %convert_element_type3A, %cond3A : i32
    scf.if %cond3A_14 {
      %mul3A_20 = arith.constant 640 : i32
      %mul3A_21 = arith.muli %arg1, %mul3A_20 : i32
      %mul3A_22 = arith.constant 640 : i32
      %mul3A_23 = arith.muli %arg1, %mul3A_22 : i32
      "tpu.region"() ({
        %run_scoped3A = tpu.sem_alloc : memref<!tpu.dma_semaphore, #tpu.memory_space<semaphore_mem>>
        %dma_start3A = arith.constant 0 : i32
        %dma_start3A_24 = tpu.memref_slice %arg6[%mul3A_23, %dma_start3A] : memref<10240x128xf32, #tpu.memory_space<hbm>> -> memref<640x128xf32, #tpu.memory_space<hbm>>
        %dma_start3A_25 = arith.constant 0 : i32
        %dma_start3A_26 = tpu.memref_slice %arg12[%mul3A_21, %dma_start3A_25] : memref<10240x128xf32, #tpu.memory_space<vmem_shared>> -> memref<640x128xf32, #tpu.memory_space<vmem_shared>>
        tpu.enqueue_dma source(%dma_start3A_26 : memref<640x128xf32, #tpu.memory_space<vmem_shared>>) target(%dma_start3A_24 : memref<640x128xf32, #tpu.memory_space<hbm>>) target_semaphore(%run_scoped3A : memref<!tpu.dma_semaphore, #tpu.memory_space<semaphore_mem>>)
        %dma_wait3A = arith.constant 0 : i32
        %dma_wait3A_27 = tpu.memref_slice %arg6[%mul3A_23, %dma_wait3A] : memref<10240x128xf32, #tpu.memory_space<hbm>> -> memref<640x128xf32, #tpu.memory_space<hbm>>
        %dma_wait3A_28 = arith.constant 0 : i32
        %dma_wait3A_29 = tpu.memref_slice %arg12[%mul3A_21, %dma_wait3A_28] : memref<10240x128xf32, #tpu.memory_space<vmem_shared>> -> memref<640x128xf32, #tpu.memory_space<vmem_shared>>
        tpu.wait_dma2 semaphore(%run_scoped3A : memref<!tpu.dma_semaphore, #tpu.memory_space<semaphore_mem>>) src(%dma_wait3A_29 : memref<640x128xf32, #tpu.memory_space<vmem_shared>>) dst(%dma_wait3A_27 : memref<640x128xf32, #tpu.memory_space<hbm>>)
        tpu.yield
      }) : () -> ()
    } else {
    }
    %eq3A_15 = arith.constant 1 : i32
    %eq3A_16 = arith.cmpi eq, %arg0, %eq3A_15 : i32
    %convert_element_type3A_17 = arith.extui %eq3A_16 : i1 to i32
    %cond3A_18 = arith.constant 0 : i32
    %cond3A_19 = arith.cmpi ne, %convert_element_type3A_17, %cond3A_18 : i32
    scf.if %cond3A_19 {
      %mul3A_20 = arith.constant 640 : i32
      %mul3A_21 = arith.muli %arg1, %mul3A_20 : i32
      %mul3A_22 = arith.constant 640 : i32
      %mul3A_23 = arith.muli %arg1, %mul3A_22 : i32
      "tpu.region"() ({
        %run_scoped3A = tpu.sem_alloc : memref<!tpu.dma_semaphore, #tpu.memory_space<semaphore_mem>>
        %dma_start3A = arith.constant 0 : i32
        %dma_start3A_24 = tpu.memref_slice %arg7[%mul3A_23, %dma_start3A] : memref<10240x128xf32, #tpu.memory_space<hbm>> -> memref<640x128xf32, #tpu.memory_space<hbm>>
        %dma_start3A_25 = arith.constant 0 : i32
        %dma_start3A_26 = tpu.memref_slice %arg12[%mul3A_21, %dma_start3A_25] : memref<10240x128xf32, #tpu.memory_space<vmem_shared>> -> memref<640x128xf32, #tpu.memory_space<vmem_shared>>
        tpu.enqueue_dma source(%dma_start3A_26 : memref<640x128xf32, #tpu.memory_space<vmem_shared>>) target(%dma_start3A_24 : memref<640x128xf32, #tpu.memory_space<hbm>>) target_semaphore(%run_scoped3A : memref<!tpu.dma_semaphore, #tpu.memory_space<semaphore_mem>>)
        %dma_wait3A = arith.constant 0 : i32
        %dma_wait3A_27 = tpu.memref_slice %arg7[%mul3A_23, %dma_wait3A] : memref<10240x128xf32, #tpu.memory_space<hbm>> -> memref<640x128xf32, #tpu.memory_space<hbm>>
        %dma_wait3A_28 = arith.constant 0 : i32
        %dma_wait3A_29 = tpu.memref_slice %arg12[%mul3A_21, %dma_wait3A_28] : memref<10240x128xf32, #tpu.memory_space<vmem_shared>> -> memref<640x128xf32, #tpu.memory_space<vmem_shared>>
        tpu.wait_dma2 semaphore(%run_scoped3A : memref<!tpu.dma_semaphore, #tpu.memory_space<semaphore_mem>>) src(%dma_wait3A_29 : memref<640x128xf32, #tpu.memory_space<vmem_shared>>) dst(%dma_wait3A_27 : memref<640x128xf32, #tpu.memory_space<hbm>>)
        tpu.yield
      }) : () -> ()
    } else {
    }
    return
  }
}

#map = affine_map<(d0, d1) -> (0, 0)>
module attributes {stable_mosaic.version = 14 : i64} {
  func.func @_sc_scatter(%arg0: i32, %arg1: i32, %arg2: memref<10240x128xf32, #tpu.memory_space<hbm>>, %arg3: memref<2560x128xi32, #tpu.memory_space<hbm>>, %arg4: memref<2560x128xi32, #tpu.memory_space<hbm>>, %arg5: memref<10240x128xf32, #tpu.memory_space<hbm>>, %arg6: memref<10240x128xf32, #tpu.memory_space<hbm>>, %arg7: memref<10240x128xf32, #tpu.memory_space<hbm>>, %arg8: memref<40x128xi32, #tpu.memory_space<vmem>>, %arg9: memref<40x128xi32, #tpu.memory_space<vmem>>, %arg10: memref<128x128xf32, #tpu.memory_space<vmem>>, %arg11: memref<128x128xf32, #tpu.memory_space<vmem>>, %arg12: memref<10240x128xf32, #tpu.memory_space<vmem_shared>>, %arg13: memref<!tpu.dma_semaphore, #tpu.memory_space<semaphore_mem>>, %arg14: memref<!tpu.dma_semaphore, #tpu.memory_space<semaphore_mem>>) attributes {dimension_semantics = [#tpu.dimension_semantics<core_parallel>, #tpu.dimension_semantics<subcore_parallel>], iteration_bounds = array<i64: 2, 16>, scalar_prefetch = 0 : i64, scratch_operands = 7 : i64, tpu.core_type = #tpu.core_type<sc_vector_subcore>, window_params = [{transform_indices = #map}, {transform_indices = #map}, {transform_indices = #map}, {transform_indices = #map}, {transform_indices = #map}, {transform_indices = #map}]} {
    %mul3A = arith.constant 2 : i32
    %mul3A_0 = arith.muli %arg1, %mul3A : i32
    %add3A = arith.addi %mul3A_0, %arg0 : i32
    %mul3A_1 = arith.constant 640 : i32
    %mul3A_2 = arith.muli %arg1, %mul3A_1 : i32
    %mul3A_3 = arith.constant 640 : i32
    %mul3A_4 = arith.muli %arg1, %mul3A_3 : i32
    "tpu.region"() ({
      %run_scoped3A = tpu.sem_alloc : memref<!tpu.dma_semaphore, #tpu.memory_space<semaphore_mem>>
      %dma_start3A = arith.constant 0 : i32
      %dma_start3A_20 = tpu.memref_slice %arg12[%mul3A_4, %dma_start3A] : memref<10240x128xf32, #tpu.memory_space<vmem_shared>> -> memref<640x128xf32, #tpu.memory_space<vmem_shared>>
      %dma_start3A_21 = arith.constant 0 : i32
      %dma_start3A_22 = tpu.memref_slice %arg5[%mul3A_2, %dma_start3A_21] : memref<10240x128xf32, #tpu.memory_space<hbm>> -> memref<640x128xf32, #tpu.memory_space<hbm>>
      tpu.enqueue_dma source(%dma_start3A_22 : memref<640x128xf32, #tpu.memory_space<hbm>>) target(%dma_start3A_20 : memref<640x128xf32, #tpu.memory_space<vmem_shared>>) target_semaphore(%run_scoped3A : memref<!tpu.dma_semaphore, #tpu.memory_space<semaphore_mem>>)
      %dma_wait3A = arith.constant 0 : i32
      %dma_wait3A_23 = tpu.memref_slice %arg12[%mul3A_4, %dma_wait3A] : memref<10240x128xf32, #tpu.memory_space<vmem_shared>> -> memref<640x128xf32, #tpu.memory_space<vmem_shared>>
      %dma_wait3A_24 = arith.constant 0 : i32
      %dma_wait3A_25 = tpu.memref_slice %arg5[%mul3A_2, %dma_wait3A_24] : memref<10240x128xf32, #tpu.memory_space<hbm>> -> memref<640x128xf32, #tpu.memory_space<hbm>>
      tpu.wait_dma2 semaphore(%run_scoped3A : memref<!tpu.dma_semaphore, #tpu.memory_space<semaphore_mem>>) src(%dma_wait3A_25 : memref<640x128xf32, #tpu.memory_space<hbm>>) dst(%dma_wait3A_23 : memref<640x128xf32, #tpu.memory_space<vmem_shared>>)
      tpu.yield
    }) : () -> ()
    %barrier3A = arith.constant 0 : index
    tpu.barrier barrier_id(%barrier3A)
    %mul3A_5 = arith.constant 80 : i32
    %mul3A_6 = arith.muli %add3A, %mul3A_5 : i32
    %scan3A = arith.constant 0 : i32
    %scan3A_7 = arith.constant 0 : i32
    %scan3A_8 = arith.constant 2 : i32
    %scan3A_9 = arith.addi %scan3A_7, %scan3A_8 : i32
    %scan3A_10 = arith.constant 1 : i32
    scf.for %scan3A_20 = %scan3A_7 to %scan3A_9 step %scan3A_10  : i32 {
      %mul3A_21 = arith.constant 40 : i32
      %mul3A_22 = arith.muli %scan3A_20, %mul3A_21 : i32
      %add3A_23 = arith.addi %mul3A_6, %mul3A_22 : i32
      "tpu.region"() ({
        %run_scoped3A = tpu.sem_alloc : memref<!tpu.dma_semaphore, #tpu.memory_space<semaphore_mem>>
        %dma_start3A_39 = arith.constant 0 : i32
        %dma_start3A_40 = tpu.memref_slice %arg3[%add3A_23, %dma_start3A_39] : memref<2560x128xi32, #tpu.memory_space<hbm>> -> memref<40x128xi32, #tpu.memory_space<hbm>>
        %dma_start3A_41 = arith.constant 0 : i32
        %dma_start3A_42 = tpu.memref_slice %arg3[%add3A_23, %dma_start3A_41] : memref<2560x128xi32, #tpu.memory_space<hbm>> -> memref<40x128xi32, #tpu.memory_space<hbm>>
        tpu.enqueue_dma source(%dma_start3A_42 : memref<40x128xi32, #tpu.memory_space<hbm>>) target(%arg8 : memref<40x128xi32, #tpu.memory_space<vmem>>) target_semaphore(%run_scoped3A : memref<!tpu.dma_semaphore, #tpu.memory_space<semaphore_mem>>)
        %dma_wait3A = arith.constant 0 : i32
        %dma_wait3A_43 = tpu.memref_slice %arg3[%add3A_23, %dma_wait3A] : memref<2560x128xi32, #tpu.memory_space<hbm>> -> memref<40x128xi32, #tpu.memory_space<hbm>>
        %dma_wait3A_44 = arith.constant 0 : i32
        %dma_wait3A_45 = tpu.memref_slice %arg3[%add3A_23, %dma_wait3A_44] : memref<2560x128xi32, #tpu.memory_space<hbm>> -> memref<40x128xi32, #tpu.memory_space<hbm>>
        tpu.wait_dma2 semaphore(%run_scoped3A : memref<!tpu.dma_semaphore, #tpu.memory_space<semaphore_mem>>) src(%dma_wait3A_45 : memref<40x128xi32, #tpu.memory_space<hbm>>) dst(%arg8 : memref<40x128xi32, #tpu.memory_space<vmem>>)
        tpu.yield
      }) : () -> ()
      %mul3A_24 = arith.constant 40 : i32
      %mul3A_25 = arith.muli %scan3A_20, %mul3A_24 : i32
      %add3A_26 = arith.addi %mul3A_6, %mul3A_25 : i32
      "tpu.region"() ({
        %run_scoped3A = tpu.sem_alloc : memref<!tpu.dma_semaphore, #tpu.memory_space<semaphore_mem>>
        %dma_start3A_39 = arith.constant 0 : i32
        %dma_start3A_40 = tpu.memref_slice %arg4[%add3A_26, %dma_start3A_39] : memref<2560x128xi32, #tpu.memory_space<hbm>> -> memref<40x128xi32, #tpu.memory_space<hbm>>
        %dma_start3A_41 = arith.constant 0 : i32
        %dma_start3A_42 = tpu.memref_slice %arg4[%add3A_26, %dma_start3A_41] : memref<2560x128xi32, #tpu.memory_space<hbm>> -> memref<40x128xi32, #tpu.memory_space<hbm>>
        tpu.enqueue_dma source(%dma_start3A_42 : memref<40x128xi32, #tpu.memory_space<hbm>>) target(%arg9 : memref<40x128xi32, #tpu.memory_space<vmem>>) target_semaphore(%run_scoped3A : memref<!tpu.dma_semaphore, #tpu.memory_space<semaphore_mem>>)
        %dma_wait3A = arith.constant 0 : i32
        %dma_wait3A_43 = tpu.memref_slice %arg4[%add3A_26, %dma_wait3A] : memref<2560x128xi32, #tpu.memory_space<hbm>> -> memref<40x128xi32, #tpu.memory_space<hbm>>
        %dma_wait3A_44 = arith.constant 0 : i32
        %dma_wait3A_45 = tpu.memref_slice %arg4[%add3A_26, %dma_wait3A_44] : memref<2560x128xi32, #tpu.memory_space<hbm>> -> memref<40x128xi32, #tpu.memory_space<hbm>>
        tpu.wait_dma2 semaphore(%run_scoped3A : memref<!tpu.dma_semaphore, #tpu.memory_space<semaphore_mem>>) src(%dma_wait3A_45 : memref<40x128xi32, #tpu.memory_space<hbm>>) dst(%arg9 : memref<40x128xi32, #tpu.memory_space<vmem>>)
        tpu.yield
      }) : () -> ()
      %dma_start3A = arith.constant 0 : i32
      %dma_start3A_27 = arith.constant 0 : i32
      %dma_start3A_28 = tpu.memref_slice %arg8[%dma_start3A, %dma_start3A_27] : memref<40x128xi32, #tpu.memory_space<vmem>> -> memref<1x128xi32, #tpu.memory_space<vmem>>
      %dma_start3A_29 = tpu.memref_squeeze %dma_start3A_28 : memref<1x128xi32, #tpu.memory_space<vmem>> -> memref<128xi32, #tpu.memory_space<vmem>>
      %dma_start3A_30 = arith.constant 0 : i32
      %dma_start3A_31 = arith.constant 0 : i32
      %dma_start3A_32 = tpu.memref_slice %arg2[%dma_start3A_30, %dma_start3A_31] : memref<10240x128xf32, #tpu.memory_space<hbm>> -> memref<10240x128xf32, #tpu.memory_space<hbm>>
      tpu.enqueue_indirect_dma source(%dma_start3A_32 : memref<10240x128xf32, #tpu.memory_space<hbm>>) target(%arg10 : memref<128x128xf32, #tpu.memory_space<vmem>>) offsets(%dma_start3A_29 : memref<128xi32, #tpu.memory_space<vmem>>) semaphore(%arg13 : memref<!tpu.dma_semaphore, #tpu.memory_space<semaphore_mem>>)
      %scan3A_33 = arith.constant 0 : i32
      %scan3A_34 = arith.constant 0 : i32
      %scan3A_35 = arith.constant 20 : i32
      %scan3A_36 = arith.addi %scan3A_34, %scan3A_35 : i32
      %scan3A_37 = arith.constant 1 : i32
      scf.for %scan3A_39 = %scan3A_34 to %scan3A_36 step %scan3A_37  : i32 {
        %mul3A_40 = arith.constant 2 : i32
        %mul3A_41 = arith.muli %scan3A_39, %mul3A_40 : i32
        %dma_wait3A = arith.constant 0 : i32
        %dma_wait3A_42 = tpu.memref_slice %arg8[%mul3A_41, %dma_wait3A] : memref<40x128xi32, #tpu.memory_space<vmem>> -> memref<1x128xi32, #tpu.memory_space<vmem>>
        %dma_wait3A_43 = tpu.memref_squeeze %dma_wait3A_42 : memref<1x128xi32, #tpu.memory_space<vmem>> -> memref<128xi32, #tpu.memory_space<vmem>>
        %dma_wait3A_44 = arith.constant 0 : i32
        %dma_wait3A_45 = arith.constant 0 : i32
        %dma_wait3A_46 = tpu.memref_slice %arg2[%dma_wait3A_44, %dma_wait3A_45] : memref<10240x128xf32, #tpu.memory_space<hbm>> -> memref<10240x128xf32, #tpu.memory_space<hbm>>
        tpu.wait_indirect_dma semaphore(%arg13 : memref<!tpu.dma_semaphore, #tpu.memory_space<semaphore_mem>>) src(%dma_wait3A_46 : memref<10240x128xf32, #tpu.memory_space<hbm>>) dst(%arg10 : memref<128x128xf32, #tpu.memory_space<vmem>>)
        %mul3A_47 = arith.constant 2 : i32
        %mul3A_48 = arith.muli %scan3A_39, %mul3A_47 : i32
        %add3A_49 = arith.constant 1 : i32
        %add3A_50 = arith.addi %mul3A_48, %add3A_49 : i32
        %dma_start3A_51 = arith.constant 0 : i32
        %dma_start3A_52 = tpu.memref_slice %arg8[%add3A_50, %dma_start3A_51] : memref<40x128xi32, #tpu.memory_space<vmem>> -> memref<1x128xi32, #tpu.memory_space<vmem>>
        %dma_start3A_53 = tpu.memref_squeeze %dma_start3A_52 : memref<1x128xi32, #tpu.memory_space<vmem>> -> memref<128xi32, #tpu.memory_space<vmem>>
        %dma_start3A_54 = arith.constant 0 : i32
        %dma_start3A_55 = arith.constant 0 : i32
        %dma_start3A_56 = tpu.memref_slice %arg2[%dma_start3A_54, %dma_start3A_55] : memref<10240x128xf32, #tpu.memory_space<hbm>> -> memref<10240x128xf32, #tpu.memory_space<hbm>>
        tpu.enqueue_indirect_dma source(%dma_start3A_56 : memref<10240x128xf32, #tpu.memory_space<hbm>>) target(%arg11 : memref<128x128xf32, #tpu.memory_space<vmem>>) offsets(%dma_start3A_53 : memref<128xi32, #tpu.memory_space<vmem>>) semaphore(%arg14 : memref<!tpu.dma_semaphore, #tpu.memory_space<semaphore_mem>>)
        %mul3A_57 = arith.constant 2 : i32
        %mul3A_58 = arith.muli %scan3A_39, %mul3A_57 : i32
        "tpu.region"() ({
          %run_scoped3A = tpu.sem_alloc : memref<!tpu.dma_semaphore, #tpu.memory_space<semaphore_mem>>
          %dma_start3A_77 = arith.constant 0 : i32
          %dma_start3A_78 = tpu.memref_slice %arg9[%mul3A_58, %dma_start3A_77] : memref<40x128xi32, #tpu.memory_space<vmem>> -> memref<1x128xi32, #tpu.memory_space<vmem>>
          %dma_start3A_79 = tpu.memref_squeeze %dma_start3A_78 : memref<1x128xi32, #tpu.memory_space<vmem>> -> memref<128xi32, #tpu.memory_space<vmem>>
          %dma_start3A_80 = arith.constant 0 : i32
          %dma_start3A_81 = arith.constant 0 : i32
          %dma_start3A_82 = tpu.memref_slice %arg12[%dma_start3A_80, %dma_start3A_81] : memref<10240x128xf32, #tpu.memory_space<vmem_shared>> -> memref<10240x128xf32, #tpu.memory_space<vmem_shared>>
          tpu.enqueue_indirect_dma source(%arg10 : memref<128x128xf32, #tpu.memory_space<vmem>>) target(%dma_start3A_82 : memref<10240x128xf32, #tpu.memory_space<vmem_shared>>) offsets(%dma_start3A_79 : memref<128xi32, #tpu.memory_space<vmem>>) semaphore(%run_scoped3A : memref<!tpu.dma_semaphore, #tpu.memory_space<semaphore_mem>>) {add = true}
          %dma_wait3A_83 = arith.constant 0 : i32
          %dma_wait3A_84 = tpu.memref_slice %arg9[%mul3A_58, %dma_wait3A_83] : memref<40x128xi32, #tpu.memory_space<vmem>> -> memref<1x128xi32, #tpu.memory_space<vmem>>
          %dma_wait3A_85 = tpu.memref_squeeze %dma_wait3A_84 : memref<1x128xi32, #tpu.memory_space<vmem>> -> memref<128xi32, #tpu.memory_space<vmem>>
          %dma_wait3A_86 = arith.constant 0 : i32
          %dma_wait3A_87 = arith.constant 0 : i32
          %dma_wait3A_88 = tpu.memref_slice %arg12[%dma_wait3A_86, %dma_wait3A_87] : memref<10240x128xf32, #tpu.memory_space<vmem_shared>> -> memref<10240x128xf32, #tpu.memory_space<vmem_shared>>
          tpu.wait_indirect_dma semaphore(%run_scoped3A : memref<!tpu.dma_semaphore, #tpu.memory_space<semaphore_mem>>) src(%arg10 : memref<128x128xf32, #tpu.memory_space<vmem>>) dst(%dma_wait3A_88 : memref<10240x128xf32, #tpu.memory_space<vmem_shared>>)
          tpu.yield
        }) : () -> ()
        %lt3A = arith.constant 19 : i32
        %lt3A_59 = arith.cmpi slt, %scan3A_39, %lt3A : i32
        %convert_element_type3A_60 = arith.extui %lt3A_59 : i1 to i32
        %cond3A_61 = arith.constant 0 : i32
        %cond3A_62 = arith.cmpi ne, %convert_element_type3A_60, %cond3A_61 : i32
        scf.if %cond3A_62 {
          %mul3A_77 = arith.constant 2 : i32
          %mul3A_78 = arith.muli %scan3A_39, %mul3A_77 : i32
          %add3A_79 = arith.constant 2 : i32
          %add3A_80 = arith.addi %mul3A_78, %add3A_79 : i32
          %dma_start3A_81 = arith.constant 0 : i32
          %dma_start3A_82 = tpu.memref_slice %arg8[%add3A_80, %dma_start3A_81] : memref<40x128xi32, #tpu.memory_space<vmem>> -> memref<1x128xi32, #tpu.memory_space<vmem>>
          %dma_start3A_83 = tpu.memref_squeeze %dma_start3A_82 : memref<1x128xi32, #tpu.memory_space<vmem>> -> memref<128xi32, #tpu.memory_space<vmem>>
          %dma_start3A_84 = arith.constant 0 : i32
          %dma_start3A_85 = arith.constant 0 : i32
          %dma_start3A_86 = tpu.memref_slice %arg2[%dma_start3A_84, %dma_start3A_85] : memref<10240x128xf32, #tpu.memory_space<hbm>> -> memref<10240x128xf32, #tpu.memory_space<hbm>>
          tpu.enqueue_indirect_dma source(%dma_start3A_86 : memref<10240x128xf32, #tpu.memory_space<hbm>>) target(%arg10 : memref<128x128xf32, #tpu.memory_space<vmem>>) offsets(%dma_start3A_83 : memref<128xi32, #tpu.memory_space<vmem>>) semaphore(%arg13 : memref<!tpu.dma_semaphore, #tpu.memory_space<semaphore_mem>>)
        } else {
        }
        %mul3A_63 = arith.constant 2 : i32
        %mul3A_64 = arith.muli %scan3A_39, %mul3A_63 : i32
        %add3A_65 = arith.constant 1 : i32
        %add3A_66 = arith.addi %mul3A_64, %add3A_65 : i32
        %dma_wait3A_67 = arith.constant 0 : i32
        %dma_wait3A_68 = tpu.memref_slice %arg8[%add3A_66, %dma_wait3A_67] : memref<40x128xi32, #tpu.memory_space<vmem>> -> memref<1x128xi32, #tpu.memory_space<vmem>>
        %dma_wait3A_69 = tpu.memref_squeeze %dma_wait3A_68 : memref<1x128xi32, #tpu.memory_space<vmem>> -> memref<128xi32, #tpu.memory_space<vmem>>
        %dma_wait3A_70 = arith.constant 0 : i32
        %dma_wait3A_71 = arith.constant 0 : i32
        %dma_wait3A_72 = tpu.memref_slice %arg2[%dma_wait3A_70, %dma_wait3A_71] : memref<10240x128xf32, #tpu.memory_space<hbm>> -> memref<10240x128xf32, #tpu.memory_space<hbm>>
        tpu.wait_indirect_dma semaphore(%arg14 : memref<!tpu.dma_semaphore, #tpu.memory_space<semaphore_mem>>) src(%dma_wait3A_72 : memref<10240x128xf32, #tpu.memory_space<hbm>>) dst(%arg11 : memref<128x128xf32, #tpu.memory_space<vmem>>)
        %mul3A_73 = arith.constant 2 : i32
        %mul3A_74 = arith.muli %scan3A_39, %mul3A_73 : i32
        %add3A_75 = arith.constant 1 : i32
        %add3A_76 = arith.addi %mul3A_74, %add3A_75 : i32
        "tpu.region"() ({
          %run_scoped3A = tpu.sem_alloc : memref<!tpu.dma_semaphore, #tpu.memory_space<semaphore_mem>>
          %dma_start3A_77 = arith.constant 0 : i32
          %dma_start3A_78 = tpu.memref_slice %arg9[%add3A_76, %dma_start3A_77] : memref<40x128xi32, #tpu.memory_space<vmem>> -> memref<1x128xi32, #tpu.memory_space<vmem>>
          %dma_start3A_79 = tpu.memref_squeeze %dma_start3A_78 : memref<1x128xi32, #tpu.memory_space<vmem>> -> memref<128xi32, #tpu.memory_space<vmem>>
          %dma_start3A_80 = arith.constant 0 : i32
          %dma_start3A_81 = arith.constant 0 : i32
          %dma_start3A_82 = tpu.memref_slice %arg12[%dma_start3A_80, %dma_start3A_81] : memref<10240x128xf32, #tpu.memory_space<vmem_shared>> -> memref<10240x128xf32, #tpu.memory_space<vmem_shared>>
          tpu.enqueue_indirect_dma source(%arg11 : memref<128x128xf32, #tpu.memory_space<vmem>>) target(%dma_start3A_82 : memref<10240x128xf32, #tpu.memory_space<vmem_shared>>) offsets(%dma_start3A_79 : memref<128xi32, #tpu.memory_space<vmem>>) semaphore(%run_scoped3A : memref<!tpu.dma_semaphore, #tpu.memory_space<semaphore_mem>>) {add = true}
          %dma_wait3A_83 = arith.constant 0 : i32
          %dma_wait3A_84 = tpu.memref_slice %arg9[%add3A_76, %dma_wait3A_83] : memref<40x128xi32, #tpu.memory_space<vmem>> -> memref<1x128xi32, #tpu.memory_space<vmem>>
          %dma_wait3A_85 = tpu.memref_squeeze %dma_wait3A_84 : memref<1x128xi32, #tpu.memory_space<vmem>> -> memref<128xi32, #tpu.memory_space<vmem>>
          %dma_wait3A_86 = arith.constant 0 : i32
          %dma_wait3A_87 = arith.constant 0 : i32
          %dma_wait3A_88 = tpu.memref_slice %arg12[%dma_wait3A_86, %dma_wait3A_87] : memref<10240x128xf32, #tpu.memory_space<vmem_shared>> -> memref<10240x128xf32, #tpu.memory_space<vmem_shared>>
          tpu.wait_indirect_dma semaphore(%run_scoped3A : memref<!tpu.dma_semaphore, #tpu.memory_space<semaphore_mem>>) src(%arg11 : memref<128x128xf32, #tpu.memory_space<vmem>>) dst(%dma_wait3A_88 : memref<10240x128xf32, #tpu.memory_space<vmem_shared>>)
          tpu.yield
        }) : () -> ()
      }
      %scan3A_38 = arith.constant 20 : i32
    }
    %scan3A_11 = arith.constant 2 : i32
    %barrier3A_12 = arith.constant 0 : index
    tpu.barrier barrier_id(%barrier3A_12)
    %eq3A = arith.constant 0 : i32
    %eq3A_13 = arith.cmpi eq, %arg0, %eq3A : i32
    %convert_element_type3A = arith.extui %eq3A_13 : i1 to i32
    %cond3A = arith.constant 0 : i32
    %cond3A_14 = arith.cmpi ne, %convert_element_type3A, %cond3A : i32
    scf.if %cond3A_14 {
      %mul3A_20 = arith.constant 640 : i32
      %mul3A_21 = arith.muli %arg1, %mul3A_20 : i32
      %mul3A_22 = arith.constant 640 : i32
      %mul3A_23 = arith.muli %arg1, %mul3A_22 : i32
      "tpu.region"() ({
        %run_scoped3A = tpu.sem_alloc : memref<!tpu.dma_semaphore, #tpu.memory_space<semaphore_mem>>
        %dma_start3A = arith.constant 0 : i32
        %dma_start3A_24 = tpu.memref_slice %arg6[%mul3A_23, %dma_start3A] : memref<10240x128xf32, #tpu.memory_space<hbm>> -> memref<640x128xf32, #tpu.memory_space<hbm>>
        %dma_start3A_25 = arith.constant 0 : i32
        %dma_start3A_26 = tpu.memref_slice %arg12[%mul3A_21, %dma_start3A_25] : memref<10240x128xf32, #tpu.memory_space<vmem_shared>> -> memref<640x128xf32, #tpu.memory_space<vmem_shared>>
        tpu.enqueue_dma source(%dma_start3A_26 : memref<640x128xf32, #tpu.memory_space<vmem_shared>>) target(%dma_start3A_24 : memref<640x128xf32, #tpu.memory_space<hbm>>) target_semaphore(%run_scoped3A : memref<!tpu.dma_semaphore, #tpu.memory_space<semaphore_mem>>)
        %dma_wait3A = arith.constant 0 : i32
        %dma_wait3A_27 = tpu.memref_slice %arg6[%mul3A_23, %dma_wait3A] : memref<10240x128xf32, #tpu.memory_space<hbm>> -> memref<640x128xf32, #tpu.memory_space<hbm>>
        %dma_wait3A_28 = arith.constant 0 : i32
        %dma_wait3A_29 = tpu.memref_slice %arg12[%mul3A_21, %dma_wait3A_28] : memref<10240x128xf32, #tpu.memory_space<vmem_shared>> -> memref<640x128xf32, #tpu.memory_space<vmem_shared>>
        tpu.wait_dma2 semaphore(%run_scoped3A : memref<!tpu.dma_semaphore, #tpu.memory_space<semaphore_mem>>) src(%dma_wait3A_29 : memref<640x128xf32, #tpu.memory_space<vmem_shared>>) dst(%dma_wait3A_27 : memref<640x128xf32, #tpu.memory_space<hbm>>)
        tpu.yield
      }) : () -> ()
    } else {
    }
    %eq3A_15 = arith.constant 1 : i32
    %eq3A_16 = arith.cmpi eq, %arg0, %eq3A_15 : i32
    %convert_element_type3A_17 = arith.extui %eq3A_16 : i1 to i32
    %cond3A_18 = arith.constant 0 : i32
    %cond3A_19 = arith.cmpi ne, %convert_element_type3A_17, %cond3A_18 : i32
    scf.if %cond3A_19 {
      %mul3A_20 = arith.constant 640 : i32
      %mul3A_21 = arith.muli %arg1, %mul3A_20 : i32
      %mul3A_22 = arith.constant 640 : i32
      %mul3A_23 = arith.muli %arg1, %mul3A_22 : i32
      "tpu.region"() ({
        %run_scoped3A = tpu.sem_alloc : memref<!tpu.dma_semaphore, #tpu.memory_space<semaphore_mem>>
        %dma_start3A = arith.constant 0 : i32
        %dma_start3A_24 = tpu.memref_slice %arg7[%mul3A_23, %dma_start3A] : memref<10240x128xf32, #tpu.memory_space<hbm>> -> memref<640x128xf32, #tpu.memory_space<hbm>>
        %dma_start3A_25 = arith.constant 0 : i32
        %dma_start3A_26 = tpu.memref_slice %arg12[%mul3A_21, %dma_start3A_25] : memref<10240x128xf32, #tpu.memory_space<vmem_shared>> -> memref<640x128xf32, #tpu.memory_space<vmem_shared>>
        tpu.enqueue_dma source(%dma_start3A_26 : memref<640x128xf32, #tpu.memory_space<vmem_shared>>) target(%dma_start3A_24 : memref<640x128xf32, #tpu.memory_space<hbm>>) target_semaphore(%run_scoped3A : memref<!tpu.dma_semaphore, #tpu.memory_space<semaphore_mem>>)
        %dma_wait3A = arith.constant 0 : i32
        %dma_wait3A_27 = tpu.memref_slice %arg7[%mul3A_23, %dma_wait3A] : memref<10240x128xf32, #tpu.memory_space<hbm>> -> memref<640x128xf32, #tpu.memory_space<hbm>>
        %dma_wait3A_28 = arith.constant 0 : i32
        %dma_wait3A_29 = tpu.memref_slice %arg12[%mul3A_21, %dma_wait3A_28] : memref<10240x128xf32, #tpu.memory_space<vmem_shared>> -> memref<640x128xf32, #tpu.memory_space<vmem_shared>>
        tpu.wait_dma2 semaphore(%run_scoped3A : memref<!tpu.dma_semaphore, #tpu.memory_space<semaphore_mem>>) src(%dma_wait3A_29 : memref<640x128xf32, #tpu.memory_space<vmem_shared>>) dst(%dma_wait3A_27 : memref<640x128xf32, #tpu.memory_space<hbm>>)
        tpu.yield
      }) : () -> ()
    } else {
    }
    return
  }
}

#map = affine_map<(d0, d1) -> (0, 0)>
#map1 = affine_map<(d0, d1) -> (0, 0, 0)>
module attributes {stable_mosaic.version = 14 : i64} {
  func.func @_sc_degree(%arg0: i32, %arg1: i32, %arg2: memref<2560x128xi32, #tpu.memory_space<hbm>>, %arg3: memref<10240x128xf32, #tpu.memory_space<hbm>>, %arg4: memref<128x128xf32, #tpu.memory_space<hbm>>, %arg5: memref<2x10240x128xf32, #tpu.memory_space<hbm>>, %arg6: memref<80x128xi32, #tpu.memory_space<vmem>>, %arg7: memref<128x128xf32, #tpu.memory_space<vmem>>, %arg8: memref<10240x128xf32, #tpu.memory_space<vmem_shared>>) attributes {dimension_semantics = [#tpu.dimension_semantics<core_parallel>, #tpu.dimension_semantics<subcore_parallel>], iteration_bounds = array<i64: 2, 16>, scalar_prefetch = 0 : i64, scratch_operands = 3 : i64, tpu.core_type = #tpu.core_type<sc_vector_subcore>, window_params = [{transform_indices = #map}, {transform_indices = #map}, {transform_indices = #map}, {transform_indices = #map1}]} {
    %mul3A = arith.constant 2 : i32
    %mul3A_0 = arith.muli %arg1, %mul3A : i32
    %add3A = arith.addi %mul3A_0, %arg0 : i32
    %mul3A_1 = arith.constant 640 : i32
    %mul3A_2 = arith.muli %arg1, %mul3A_1 : i32
    %mul3A_3 = arith.constant 640 : i32
    %mul3A_4 = arith.muli %arg1, %mul3A_3 : i32
    "tpu.region"() ({
      %run_scoped3A = tpu.sem_alloc : memref<!tpu.dma_semaphore, #tpu.memory_space<semaphore_mem>>
      %dma_start3A = arith.constant 0 : i32
      %dma_start3A_17 = tpu.memref_slice %arg8[%mul3A_4, %dma_start3A] : memref<10240x128xf32, #tpu.memory_space<vmem_shared>> -> memref<640x128xf32, #tpu.memory_space<vmem_shared>>
      %dma_start3A_18 = arith.constant 0 : i32
      %dma_start3A_19 = tpu.memref_slice %arg3[%mul3A_2, %dma_start3A_18] : memref<10240x128xf32, #tpu.memory_space<hbm>> -> memref<640x128xf32, #tpu.memory_space<hbm>>
      tpu.enqueue_dma source(%dma_start3A_19 : memref<640x128xf32, #tpu.memory_space<hbm>>) target(%dma_start3A_17 : memref<640x128xf32, #tpu.memory_space<vmem_shared>>) target_semaphore(%run_scoped3A : memref<!tpu.dma_semaphore, #tpu.memory_space<semaphore_mem>>)
      %dma_wait3A = arith.constant 0 : i32
      %dma_wait3A_20 = tpu.memref_slice %arg8[%mul3A_4, %dma_wait3A] : memref<10240x128xf32, #tpu.memory_space<vmem_shared>> -> memref<640x128xf32, #tpu.memory_space<vmem_shared>>
      %dma_wait3A_21 = arith.constant 0 : i32
      %dma_wait3A_22 = tpu.memref_slice %arg3[%mul3A_2, %dma_wait3A_21] : memref<10240x128xf32, #tpu.memory_space<hbm>> -> memref<640x128xf32, #tpu.memory_space<hbm>>
      tpu.wait_dma2 semaphore(%run_scoped3A : memref<!tpu.dma_semaphore, #tpu.memory_space<semaphore_mem>>) src(%dma_wait3A_22 : memref<640x128xf32, #tpu.memory_space<hbm>>) dst(%dma_wait3A_20 : memref<640x128xf32, #tpu.memory_space<vmem_shared>>)
      tpu.yield
    }) : () -> ()
    %mul3A_5 = arith.constant 80 : i32
    %mul3A_6 = arith.muli %add3A, %mul3A_5 : i32
    "tpu.region"() ({
      %run_scoped3A = tpu.sem_alloc : memref<!tpu.dma_semaphore, #tpu.memory_space<semaphore_mem>>
      %dma_start3A = arith.constant 0 : i32
      %dma_start3A_17 = tpu.memref_slice %arg2[%mul3A_6, %dma_start3A] : memref<2560x128xi32, #tpu.memory_space<hbm>> -> memref<80x128xi32, #tpu.memory_space<hbm>>
      %dma_start3A_18 = arith.constant 0 : i32
      %dma_start3A_19 = tpu.memref_slice %arg2[%mul3A_6, %dma_start3A_18] : memref<2560x128xi32, #tpu.memory_space<hbm>> -> memref<80x128xi32, #tpu.memory_space<hbm>>
      tpu.enqueue_dma source(%dma_start3A_19 : memref<80x128xi32, #tpu.memory_space<hbm>>) target(%arg6 : memref<80x128xi32, #tpu.memory_space<vmem>>) target_semaphore(%run_scoped3A : memref<!tpu.dma_semaphore, #tpu.memory_space<semaphore_mem>>)
      %dma_wait3A = arith.constant 0 : i32
      %dma_wait3A_20 = tpu.memref_slice %arg2[%mul3A_6, %dma_wait3A] : memref<2560x128xi32, #tpu.memory_space<hbm>> -> memref<80x128xi32, #tpu.memory_space<hbm>>
      %dma_wait3A_21 = arith.constant 0 : i32
      %dma_wait3A_22 = tpu.memref_slice %arg2[%mul3A_6, %dma_wait3A_21] : memref<2560x128xi32, #tpu.memory_space<hbm>> -> memref<80x128xi32, #tpu.memory_space<hbm>>
      tpu.wait_dma2 semaphore(%run_scoped3A : memref<!tpu.dma_semaphore, #tpu.memory_space<semaphore_mem>>) src(%dma_wait3A_22 : memref<80x128xi32, #tpu.memory_space<hbm>>) dst(%arg6 : memref<80x128xi32, #tpu.memory_space<vmem>>)
      tpu.yield
    }) : () -> ()
    "tpu.region"() ({
      %run_scoped3A = tpu.sem_alloc : memref<!tpu.dma_semaphore, #tpu.memory_space<semaphore_mem>>
      tpu.enqueue_dma source(%arg4 : memref<128x128xf32, #tpu.memory_space<hbm>>) target(%arg7 : memref<128x128xf32, #tpu.memory_space<vmem>>) target_semaphore(%run_scoped3A : memref<!tpu.dma_semaphore, #tpu.memory_space<semaphore_mem>>)
      tpu.wait_dma2 semaphore(%run_scoped3A : memref<!tpu.dma_semaphore, #tpu.memory_space<semaphore_mem>>) src(%arg4 : memref<128x128xf32, #tpu.memory_space<hbm>>) dst(%arg7 : memref<128x128xf32, #tpu.memory_space<vmem>>)
      tpu.yield
    }) : () -> ()
    %barrier3A = arith.constant 0 : index
    tpu.barrier barrier_id(%barrier3A)
    %scan3A = arith.constant 0 : i32
    %scan3A_7 = arith.constant 0 : i32
    %scan3A_8 = arith.constant 40 : i32
    %scan3A_9 = arith.addi %scan3A_7, %scan3A_8 : i32
    %scan3A_10 = arith.constant 1 : i32
    scf.for %scan3A_17 = %scan3A_7 to %scan3A_9 step %scan3A_10  : i32 {
      %mul3A_18 = arith.constant 2 : i32
      %mul3A_19 = arith.muli %scan3A_17, %mul3A_18 : i32
      "tpu.region"() ({
        %run_scoped3A = tpu.sem_alloc : memref<!tpu.dma_semaphore, #tpu.memory_space<semaphore_mem>>
        %dma_start3A = arith.constant 0 : i32
        %dma_start3A_24 = tpu.memref_slice %arg6[%mul3A_19, %dma_start3A] : memref<80x128xi32, #tpu.memory_space<vmem>> -> memref<1x128xi32, #tpu.memory_space<vmem>>
        %dma_start3A_25 = tpu.memref_squeeze %dma_start3A_24 : memref<1x128xi32, #tpu.memory_space<vmem>> -> memref<128xi32, #tpu.memory_space<vmem>>
        %dma_start3A_26 = arith.constant 0 : i32
        %dma_start3A_27 = arith.constant 0 : i32
        %dma_start3A_28 = tpu.memref_slice %arg8[%dma_start3A_26, %dma_start3A_27] : memref<10240x128xf32, #tpu.memory_space<vmem_shared>> -> memref<10240x128xf32, #tpu.memory_space<vmem_shared>>
        tpu.enqueue_indirect_dma source(%arg7 : memref<128x128xf32, #tpu.memory_space<vmem>>) target(%dma_start3A_28 : memref<10240x128xf32, #tpu.memory_space<vmem_shared>>) offsets(%dma_start3A_25 : memref<128xi32, #tpu.memory_space<vmem>>) semaphore(%run_scoped3A : memref<!tpu.dma_semaphore, #tpu.memory_space<semaphore_mem>>) {add = true}
        %dma_wait3A = arith.constant 0 : i32
        %dma_wait3A_29 = tpu.memref_slice %arg6[%mul3A_19, %dma_wait3A] : memref<80x128xi32, #tpu.memory_space<vmem>> -> memref<1x128xi32, #tpu.memory_space<vmem>>
        %dma_wait3A_30 = tpu.memref_squeeze %dma_wait3A_29 : memref<1x128xi32, #tpu.memory_space<vmem>> -> memref<128xi32, #tpu.memory_space<vmem>>
        %dma_wait3A_31 = arith.constant 0 : i32
        %dma_wait3A_32 = arith.constant 0 : i32
        %dma_wait3A_33 = tpu.memref_slice %arg8[%dma_wait3A_31, %dma_wait3A_32] : memref<10240x128xf32, #tpu.memory_space<vmem_shared>> -> memref<10240x128xf32, #tpu.memory_space<vmem_shared>>
        tpu.wait_indirect_dma semaphore(%run_scoped3A : memref<!tpu.dma_semaphore, #tpu.memory_space<semaphore_mem>>) src(%arg7 : memref<128x128xf32, #tpu.memory_space<vmem>>) dst(%dma_wait3A_33 : memref<10240x128xf32, #tpu.memory_space<vmem_shared>>)
        tpu.yield
      }) : () -> ()
      %mul3A_20 = arith.constant 2 : i32
      %mul3A_21 = arith.muli %scan3A_17, %mul3A_20 : i32
      %add3A_22 = arith.constant 1 : i32
      %add3A_23 = arith.addi %mul3A_21, %add3A_22 : i32
      "tpu.region"() ({
        %run_scoped3A = tpu.sem_alloc : memref<!tpu.dma_semaphore, #tpu.memory_space<semaphore_mem>>
        %dma_start3A = arith.constant 0 : i32
        %dma_start3A_24 = tpu.memref_slice %arg6[%add3A_23, %dma_start3A] : memref<80x128xi32, #tpu.memory_space<vmem>> -> memref<1x128xi32, #tpu.memory_space<vmem>>
        %dma_start3A_25 = tpu.memref_squeeze %dma_start3A_24 : memref<1x128xi32, #tpu.memory_space<vmem>> -> memref<128xi32, #tpu.memory_space<vmem>>
        %dma_start3A_26 = arith.constant 0 : i32
        %dma_start3A_27 = arith.constant 0 : i32
        %dma_start3A_28 = tpu.memref_slice %arg8[%dma_start3A_26, %dma_start3A_27] : memref<10240x128xf32, #tpu.memory_space<vmem_shared>> -> memref<10240x128xf32, #tpu.memory_space<vmem_shared>>
        tpu.enqueue_indirect_dma source(%arg7 : memref<128x128xf32, #tpu.memory_space<vmem>>) target(%dma_start3A_28 : memref<10240x128xf32, #tpu.memory_space<vmem_shared>>) offsets(%dma_start3A_25 : memref<128xi32, #tpu.memory_space<vmem>>) semaphore(%run_scoped3A : memref<!tpu.dma_semaphore, #tpu.memory_space<semaphore_mem>>) {add = true}
        %dma_wait3A = arith.constant 0 : i32
        %dma_wait3A_29 = tpu.memref_slice %arg6[%add3A_23, %dma_wait3A] : memref<80x128xi32, #tpu.memory_space<vmem>> -> memref<1x128xi32, #tpu.memory_space<vmem>>
        %dma_wait3A_30 = tpu.memref_squeeze %dma_wait3A_29 : memref<1x128xi32, #tpu.memory_space<vmem>> -> memref<128xi32, #tpu.memory_space<vmem>>
        %dma_wait3A_31 = arith.constant 0 : i32
        %dma_wait3A_32 = arith.constant 0 : i32
        %dma_wait3A_33 = tpu.memref_slice %arg8[%dma_wait3A_31, %dma_wait3A_32] : memref<10240x128xf32, #tpu.memory_space<vmem_shared>> -> memref<10240x128xf32, #tpu.memory_space<vmem_shared>>
        tpu.wait_indirect_dma semaphore(%run_scoped3A : memref<!tpu.dma_semaphore, #tpu.memory_space<semaphore_mem>>) src(%arg7 : memref<128x128xf32, #tpu.memory_space<vmem>>) dst(%dma_wait3A_33 : memref<10240x128xf32, #tpu.memory_space<vmem_shared>>)
        tpu.yield
      }) : () -> ()
    }
    %scan3A_11 = arith.constant 40 : i32
    %barrier3A_12 = arith.constant 0 : index
    tpu.barrier barrier_id(%barrier3A_12)
    %mul3A_13 = arith.constant 640 : i32
    %mul3A_14 = arith.muli %arg1, %mul3A_13 : i32
    %mul3A_15 = arith.constant 640 : i32
    %mul3A_16 = arith.muli %arg1, %mul3A_15 : i32
    "tpu.region"() ({
      %run_scoped3A = tpu.sem_alloc : memref<!tpu.dma_semaphore, #tpu.memory_space<semaphore_mem>>
      %dma_start3A = arith.constant 0 : i32
      %dma_start3A_17 = tpu.memref_slice %arg5[%arg0, %mul3A_16, %dma_start3A] : memref<2x10240x128xf32, #tpu.memory_space<hbm>> -> memref<1x640x128xf32, #tpu.memory_space<hbm>>
      %dma_start3A_18 = tpu.memref_squeeze %dma_start3A_17 : memref<1x640x128xf32, #tpu.memory_space<hbm>> -> memref<640x128xf32, #tpu.memory_space<hbm>>
      %dma_start3A_19 = arith.constant 0 : i32
      %dma_start3A_20 = tpu.memref_slice %arg8[%mul3A_14, %dma_start3A_19] : memref<10240x128xf32, #tpu.memory_space<vmem_shared>> -> memref<640x128xf32, #tpu.memory_space<vmem_shared>>
      tpu.enqueue_dma source(%dma_start3A_20 : memref<640x128xf32, #tpu.memory_space<vmem_shared>>) target(%dma_start3A_18 : memref<640x128xf32, #tpu.memory_space<hbm>>) target_semaphore(%run_scoped3A : memref<!tpu.dma_semaphore, #tpu.memory_space<semaphore_mem>>)
      %dma_wait3A = arith.constant 0 : i32
      %dma_wait3A_21 = tpu.memref_slice %arg5[%arg0, %mul3A_16, %dma_wait3A] : memref<2x10240x128xf32, #tpu.memory_space<hbm>> -> memref<1x640x128xf32, #tpu.memory_space<hbm>>
      %dma_wait3A_22 = tpu.memref_squeeze %dma_wait3A_21 : memref<1x640x128xf32, #tpu.memory_space<hbm>> -> memref<640x128xf32, #tpu.memory_space<hbm>>
      %dma_wait3A_23 = arith.constant 0 : i32
      %dma_wait3A_24 = tpu.memref_slice %arg8[%mul3A_14, %dma_wait3A_23] : memref<10240x128xf32, #tpu.memory_space<vmem_shared>> -> memref<640x128xf32, #tpu.memory_space<vmem_shared>>
      tpu.wait_dma2 semaphore(%run_scoped3A : memref<!tpu.dma_semaphore, #tpu.memory_space<semaphore_mem>>) src(%dma_wait3A_24 : memref<640x128xf32, #tpu.memory_space<vmem_shared>>) dst(%dma_wait3A_22 : memref<640x128xf32, #tpu.memory_space<hbm>>)
      tpu.yield
    }) : () -> ()
    return
  }
}

#map = affine_map<(d0, d1) -> (0, 0)>
module attributes {stable_mosaic.version = 14 : i64} {
  func.func @_sc_scatter(%arg0: i32, %arg1: i32, %arg2: memref<10240x128xf32, #tpu.memory_space<hbm>>, %arg3: memref<2560x128xi32, #tpu.memory_space<hbm>>, %arg4: memref<2560x128xi32, #tpu.memory_space<hbm>>, %arg5: memref<10240x128xf32, #tpu.memory_space<hbm>>, %arg6: memref<10240x128xf32, #tpu.memory_space<hbm>>, %arg7: memref<10240x128xf32, #tpu.memory_space<hbm>>, %arg8: memref<40x128xi32, #tpu.memory_space<vmem>>, %arg9: memref<40x128xi32, #tpu.memory_space<vmem>>, %arg10: memref<128x128xf32, #tpu.memory_space<vmem>>, %arg11: memref<128x128xf32, #tpu.memory_space<vmem>>, %arg12: memref<10240x128xf32, #tpu.memory_space<vmem_shared>>, %arg13: memref<!tpu.dma_semaphore, #tpu.memory_space<semaphore_mem>>, %arg14: memref<!tpu.dma_semaphore, #tpu.memory_space<semaphore_mem>>) attributes {dimension_semantics = [#tpu.dimension_semantics<core_parallel>, #tpu.dimension_semantics<subcore_parallel>], iteration_bounds = array<i64: 2, 16>, scalar_prefetch = 0 : i64, scratch_operands = 7 : i64, tpu.core_type = #tpu.core_type<sc_vector_subcore>, window_params = [{transform_indices = #map}, {transform_indices = #map}, {transform_indices = #map}, {transform_indices = #map}, {transform_indices = #map}, {transform_indices = #map}]} {
    %mul3A = arith.constant 2 : i32
    %mul3A_0 = arith.muli %arg1, %mul3A : i32
    %add3A = arith.addi %mul3A_0, %arg0 : i32
    %mul3A_1 = arith.constant 640 : i32
    %mul3A_2 = arith.muli %arg1, %mul3A_1 : i32
    %mul3A_3 = arith.constant 640 : i32
    %mul3A_4 = arith.muli %arg1, %mul3A_3 : i32
    "tpu.region"() ({
      %run_scoped3A = tpu.sem_alloc : memref<!tpu.dma_semaphore, #tpu.memory_space<semaphore_mem>>
      %dma_start3A = arith.constant 0 : i32
      %dma_start3A_20 = tpu.memref_slice %arg12[%mul3A_4, %dma_start3A] : memref<10240x128xf32, #tpu.memory_space<vmem_shared>> -> memref<640x128xf32, #tpu.memory_space<vmem_shared>>
      %dma_start3A_21 = arith.constant 0 : i32
      %dma_start3A_22 = tpu.memref_slice %arg5[%mul3A_2, %dma_start3A_21] : memref<10240x128xf32, #tpu.memory_space<hbm>> -> memref<640x128xf32, #tpu.memory_space<hbm>>
      tpu.enqueue_dma source(%dma_start3A_22 : memref<640x128xf32, #tpu.memory_space<hbm>>) target(%dma_start3A_20 : memref<640x128xf32, #tpu.memory_space<vmem_shared>>) target_semaphore(%run_scoped3A : memref<!tpu.dma_semaphore, #tpu.memory_space<semaphore_mem>>)
      %dma_wait3A = arith.constant 0 : i32
      %dma_wait3A_23 = tpu.memref_slice %arg12[%mul3A_4, %dma_wait3A] : memref<10240x128xf32, #tpu.memory_space<vmem_shared>> -> memref<640x128xf32, #tpu.memory_space<vmem_shared>>
      %dma_wait3A_24 = arith.constant 0 : i32
      %dma_wait3A_25 = tpu.memref_slice %arg5[%mul3A_2, %dma_wait3A_24] : memref<10240x128xf32, #tpu.memory_space<hbm>> -> memref<640x128xf32, #tpu.memory_space<hbm>>
      tpu.wait_dma2 semaphore(%run_scoped3A : memref<!tpu.dma_semaphore, #tpu.memory_space<semaphore_mem>>) src(%dma_wait3A_25 : memref<640x128xf32, #tpu.memory_space<hbm>>) dst(%dma_wait3A_23 : memref<640x128xf32, #tpu.memory_space<vmem_shared>>)
      tpu.yield
    }) : () -> ()
    %barrier3A = arith.constant 0 : index
    tpu.barrier barrier_id(%barrier3A)
    %mul3A_5 = arith.constant 80 : i32
    %mul3A_6 = arith.muli %add3A, %mul3A_5 : i32
    %scan3A = arith.constant 0 : i32
    %scan3A_7 = arith.constant 0 : i32
    %scan3A_8 = arith.constant 2 : i32
    %scan3A_9 = arith.addi %scan3A_7, %scan3A_8 : i32
    %scan3A_10 = arith.constant 1 : i32
    scf.for %scan3A_20 = %scan3A_7 to %scan3A_9 step %scan3A_10  : i32 {
      %mul3A_21 = arith.constant 40 : i32
      %mul3A_22 = arith.muli %scan3A_20, %mul3A_21 : i32
      %add3A_23 = arith.addi %mul3A_6, %mul3A_22 : i32
      "tpu.region"() ({
        %run_scoped3A = tpu.sem_alloc : memref<!tpu.dma_semaphore, #tpu.memory_space<semaphore_mem>>
        %dma_start3A_39 = arith.constant 0 : i32
        %dma_start3A_40 = tpu.memref_slice %arg3[%add3A_23, %dma_start3A_39] : memref<2560x128xi32, #tpu.memory_space<hbm>> -> memref<40x128xi32, #tpu.memory_space<hbm>>
        %dma_start3A_41 = arith.constant 0 : i32
        %dma_start3A_42 = tpu.memref_slice %arg3[%add3A_23, %dma_start3A_41] : memref<2560x128xi32, #tpu.memory_space<hbm>> -> memref<40x128xi32, #tpu.memory_space<hbm>>
        tpu.enqueue_dma source(%dma_start3A_42 : memref<40x128xi32, #tpu.memory_space<hbm>>) target(%arg8 : memref<40x128xi32, #tpu.memory_space<vmem>>) target_semaphore(%run_scoped3A : memref<!tpu.dma_semaphore, #tpu.memory_space<semaphore_mem>>)
        %dma_wait3A = arith.constant 0 : i32
        %dma_wait3A_43 = tpu.memref_slice %arg3[%add3A_23, %dma_wait3A] : memref<2560x128xi32, #tpu.memory_space<hbm>> -> memref<40x128xi32, #tpu.memory_space<hbm>>
        %dma_wait3A_44 = arith.constant 0 : i32
        %dma_wait3A_45 = tpu.memref_slice %arg3[%add3A_23, %dma_wait3A_44] : memref<2560x128xi32, #tpu.memory_space<hbm>> -> memref<40x128xi32, #tpu.memory_space<hbm>>
        tpu.wait_dma2 semaphore(%run_scoped3A : memref<!tpu.dma_semaphore, #tpu.memory_space<semaphore_mem>>) src(%dma_wait3A_45 : memref<40x128xi32, #tpu.memory_space<hbm>>) dst(%arg8 : memref<40x128xi32, #tpu.memory_space<vmem>>)
        tpu.yield
      }) : () -> ()
      %mul3A_24 = arith.constant 40 : i32
      %mul3A_25 = arith.muli %scan3A_20, %mul3A_24 : i32
      %add3A_26 = arith.addi %mul3A_6, %mul3A_25 : i32
      "tpu.region"() ({
        %run_scoped3A = tpu.sem_alloc : memref<!tpu.dma_semaphore, #tpu.memory_space<semaphore_mem>>
        %dma_start3A_39 = arith.constant 0 : i32
        %dma_start3A_40 = tpu.memref_slice %arg4[%add3A_26, %dma_start3A_39] : memref<2560x128xi32, #tpu.memory_space<hbm>> -> memref<40x128xi32, #tpu.memory_space<hbm>>
        %dma_start3A_41 = arith.constant 0 : i32
        %dma_start3A_42 = tpu.memref_slice %arg4[%add3A_26, %dma_start3A_41] : memref<2560x128xi32, #tpu.memory_space<hbm>> -> memref<40x128xi32, #tpu.memory_space<hbm>>
        tpu.enqueue_dma source(%dma_start3A_42 : memref<40x128xi32, #tpu.memory_space<hbm>>) target(%arg9 : memref<40x128xi32, #tpu.memory_space<vmem>>) target_semaphore(%run_scoped3A : memref<!tpu.dma_semaphore, #tpu.memory_space<semaphore_mem>>)
        %dma_wait3A = arith.constant 0 : i32
        %dma_wait3A_43 = tpu.memref_slice %arg4[%add3A_26, %dma_wait3A] : memref<2560x128xi32, #tpu.memory_space<hbm>> -> memref<40x128xi32, #tpu.memory_space<hbm>>
        %dma_wait3A_44 = arith.constant 0 : i32
        %dma_wait3A_45 = tpu.memref_slice %arg4[%add3A_26, %dma_wait3A_44] : memref<2560x128xi32, #tpu.memory_space<hbm>> -> memref<40x128xi32, #tpu.memory_space<hbm>>
        tpu.wait_dma2 semaphore(%run_scoped3A : memref<!tpu.dma_semaphore, #tpu.memory_space<semaphore_mem>>) src(%dma_wait3A_45 : memref<40x128xi32, #tpu.memory_space<hbm>>) dst(%arg9 : memref<40x128xi32, #tpu.memory_space<vmem>>)
        tpu.yield
      }) : () -> ()
      %dma_start3A = arith.constant 0 : i32
      %dma_start3A_27 = arith.constant 0 : i32
      %dma_start3A_28 = tpu.memref_slice %arg8[%dma_start3A, %dma_start3A_27] : memref<40x128xi32, #tpu.memory_space<vmem>> -> memref<1x128xi32, #tpu.memory_space<vmem>>
      %dma_start3A_29 = tpu.memref_squeeze %dma_start3A_28 : memref<1x128xi32, #tpu.memory_space<vmem>> -> memref<128xi32, #tpu.memory_space<vmem>>
      %dma_start3A_30 = arith.constant 0 : i32
      %dma_start3A_31 = arith.constant 0 : i32
      %dma_start3A_32 = tpu.memref_slice %arg2[%dma_start3A_30, %dma_start3A_31] : memref<10240x128xf32, #tpu.memory_space<hbm>> -> memref<10240x128xf32, #tpu.memory_space<hbm>>
      tpu.enqueue_indirect_dma source(%dma_start3A_32 : memref<10240x128xf32, #tpu.memory_space<hbm>>) target(%arg10 : memref<128x128xf32, #tpu.memory_space<vmem>>) offsets(%dma_start3A_29 : memref<128xi32, #tpu.memory_space<vmem>>) semaphore(%arg13 : memref<!tpu.dma_semaphore, #tpu.memory_space<semaphore_mem>>)
      %scan3A_33 = arith.constant 0 : i32
      %scan3A_34 = arith.constant 0 : i32
      %scan3A_35 = arith.constant 20 : i32
      %scan3A_36 = arith.addi %scan3A_34, %scan3A_35 : i32
      %scan3A_37 = arith.constant 1 : i32
      scf.for %scan3A_39 = %scan3A_34 to %scan3A_36 step %scan3A_37  : i32 {
        %mul3A_40 = arith.constant 2 : i32
        %mul3A_41 = arith.muli %scan3A_39, %mul3A_40 : i32
        %dma_wait3A = arith.constant 0 : i32
        %dma_wait3A_42 = tpu.memref_slice %arg8[%mul3A_41, %dma_wait3A] : memref<40x128xi32, #tpu.memory_space<vmem>> -> memref<1x128xi32, #tpu.memory_space<vmem>>
        %dma_wait3A_43 = tpu.memref_squeeze %dma_wait3A_42 : memref<1x128xi32, #tpu.memory_space<vmem>> -> memref<128xi32, #tpu.memory_space<vmem>>
        %dma_wait3A_44 = arith.constant 0 : i32
        %dma_wait3A_45 = arith.constant 0 : i32
        %dma_wait3A_46 = tpu.memref_slice %arg2[%dma_wait3A_44, %dma_wait3A_45] : memref<10240x128xf32, #tpu.memory_space<hbm>> -> memref<10240x128xf32, #tpu.memory_space<hbm>>
        tpu.wait_indirect_dma semaphore(%arg13 : memref<!tpu.dma_semaphore, #tpu.memory_space<semaphore_mem>>) src(%dma_wait3A_46 : memref<10240x128xf32, #tpu.memory_space<hbm>>) dst(%arg10 : memref<128x128xf32, #tpu.memory_space<vmem>>)
        %mul3A_47 = arith.constant 2 : i32
        %mul3A_48 = arith.muli %scan3A_39, %mul3A_47 : i32
        %add3A_49 = arith.constant 1 : i32
        %add3A_50 = arith.addi %mul3A_48, %add3A_49 : i32
        %dma_start3A_51 = arith.constant 0 : i32
        %dma_start3A_52 = tpu.memref_slice %arg8[%add3A_50, %dma_start3A_51] : memref<40x128xi32, #tpu.memory_space<vmem>> -> memref<1x128xi32, #tpu.memory_space<vmem>>
        %dma_start3A_53 = tpu.memref_squeeze %dma_start3A_52 : memref<1x128xi32, #tpu.memory_space<vmem>> -> memref<128xi32, #tpu.memory_space<vmem>>
        %dma_start3A_54 = arith.constant 0 : i32
        %dma_start3A_55 = arith.constant 0 : i32
        %dma_start3A_56 = tpu.memref_slice %arg2[%dma_start3A_54, %dma_start3A_55] : memref<10240x128xf32, #tpu.memory_space<hbm>> -> memref<10240x128xf32, #tpu.memory_space<hbm>>
        tpu.enqueue_indirect_dma source(%dma_start3A_56 : memref<10240x128xf32, #tpu.memory_space<hbm>>) target(%arg11 : memref<128x128xf32, #tpu.memory_space<vmem>>) offsets(%dma_start3A_53 : memref<128xi32, #tpu.memory_space<vmem>>) semaphore(%arg14 : memref<!tpu.dma_semaphore, #tpu.memory_space<semaphore_mem>>)
        %mul3A_57 = arith.constant 2 : i32
        %mul3A_58 = arith.muli %scan3A_39, %mul3A_57 : i32
        "tpu.region"() ({
          %run_scoped3A = tpu.sem_alloc : memref<!tpu.dma_semaphore, #tpu.memory_space<semaphore_mem>>
          %dma_start3A_77 = arith.constant 0 : i32
          %dma_start3A_78 = tpu.memref_slice %arg9[%mul3A_58, %dma_start3A_77] : memref<40x128xi32, #tpu.memory_space<vmem>> -> memref<1x128xi32, #tpu.memory_space<vmem>>
          %dma_start3A_79 = tpu.memref_squeeze %dma_start3A_78 : memref<1x128xi32, #tpu.memory_space<vmem>> -> memref<128xi32, #tpu.memory_space<vmem>>
          %dma_start3A_80 = arith.constant 0 : i32
          %dma_start3A_81 = arith.constant 0 : i32
          %dma_start3A_82 = tpu.memref_slice %arg12[%dma_start3A_80, %dma_start3A_81] : memref<10240x128xf32, #tpu.memory_space<vmem_shared>> -> memref<10240x128xf32, #tpu.memory_space<vmem_shared>>
          tpu.enqueue_indirect_dma source(%arg10 : memref<128x128xf32, #tpu.memory_space<vmem>>) target(%dma_start3A_82 : memref<10240x128xf32, #tpu.memory_space<vmem_shared>>) offsets(%dma_start3A_79 : memref<128xi32, #tpu.memory_space<vmem>>) semaphore(%run_scoped3A : memref<!tpu.dma_semaphore, #tpu.memory_space<semaphore_mem>>) {add = true}
          %dma_wait3A_83 = arith.constant 0 : i32
          %dma_wait3A_84 = tpu.memref_slice %arg9[%mul3A_58, %dma_wait3A_83] : memref<40x128xi32, #tpu.memory_space<vmem>> -> memref<1x128xi32, #tpu.memory_space<vmem>>
          %dma_wait3A_85 = tpu.memref_squeeze %dma_wait3A_84 : memref<1x128xi32, #tpu.memory_space<vmem>> -> memref<128xi32, #tpu.memory_space<vmem>>
          %dma_wait3A_86 = arith.constant 0 : i32
          %dma_wait3A_87 = arith.constant 0 : i32
          %dma_wait3A_88 = tpu.memref_slice %arg12[%dma_wait3A_86, %dma_wait3A_87] : memref<10240x128xf32, #tpu.memory_space<vmem_shared>> -> memref<10240x128xf32, #tpu.memory_space<vmem_shared>>
          tpu.wait_indirect_dma semaphore(%run_scoped3A : memref<!tpu.dma_semaphore, #tpu.memory_space<semaphore_mem>>) src(%arg10 : memref<128x128xf32, #tpu.memory_space<vmem>>) dst(%dma_wait3A_88 : memref<10240x128xf32, #tpu.memory_space<vmem_shared>>)
          tpu.yield
        }) : () -> ()
        %lt3A = arith.constant 19 : i32
        %lt3A_59 = arith.cmpi slt, %scan3A_39, %lt3A : i32
        %convert_element_type3A_60 = arith.extui %lt3A_59 : i1 to i32
        %cond3A_61 = arith.constant 0 : i32
        %cond3A_62 = arith.cmpi ne, %convert_element_type3A_60, %cond3A_61 : i32
        scf.if %cond3A_62 {
          %mul3A_77 = arith.constant 2 : i32
          %mul3A_78 = arith.muli %scan3A_39, %mul3A_77 : i32
          %add3A_79 = arith.constant 2 : i32
          %add3A_80 = arith.addi %mul3A_78, %add3A_79 : i32
          %dma_start3A_81 = arith.constant 0 : i32
          %dma_start3A_82 = tpu.memref_slice %arg8[%add3A_80, %dma_start3A_81] : memref<40x128xi32, #tpu.memory_space<vmem>> -> memref<1x128xi32, #tpu.memory_space<vmem>>
          %dma_start3A_83 = tpu.memref_squeeze %dma_start3A_82 : memref<1x128xi32, #tpu.memory_space<vmem>> -> memref<128xi32, #tpu.memory_space<vmem>>
          %dma_start3A_84 = arith.constant 0 : i32
          %dma_start3A_85 = arith.constant 0 : i32
          %dma_start3A_86 = tpu.memref_slice %arg2[%dma_start3A_84, %dma_start3A_85] : memref<10240x128xf32, #tpu.memory_space<hbm>> -> memref<10240x128xf32, #tpu.memory_space<hbm>>
          tpu.enqueue_indirect_dma source(%dma_start3A_86 : memref<10240x128xf32, #tpu.memory_space<hbm>>) target(%arg10 : memref<128x128xf32, #tpu.memory_space<vmem>>) offsets(%dma_start3A_83 : memref<128xi32, #tpu.memory_space<vmem>>) semaphore(%arg13 : memref<!tpu.dma_semaphore, #tpu.memory_space<semaphore_mem>>)
        } else {
        }
        %mul3A_63 = arith.constant 2 : i32
        %mul3A_64 = arith.muli %scan3A_39, %mul3A_63 : i32
        %add3A_65 = arith.constant 1 : i32
        %add3A_66 = arith.addi %mul3A_64, %add3A_65 : i32
        %dma_wait3A_67 = arith.constant 0 : i32
        %dma_wait3A_68 = tpu.memref_slice %arg8[%add3A_66, %dma_wait3A_67] : memref<40x128xi32, #tpu.memory_space<vmem>> -> memref<1x128xi32, #tpu.memory_space<vmem>>
        %dma_wait3A_69 = tpu.memref_squeeze %dma_wait3A_68 : memref<1x128xi32, #tpu.memory_space<vmem>> -> memref<128xi32, #tpu.memory_space<vmem>>
        %dma_wait3A_70 = arith.constant 0 : i32
        %dma_wait3A_71 = arith.constant 0 : i32
        %dma_wait3A_72 = tpu.memref_slice %arg2[%dma_wait3A_70, %dma_wait3A_71] : memref<10240x128xf32, #tpu.memory_space<hbm>> -> memref<10240x128xf32, #tpu.memory_space<hbm>>
        tpu.wait_indirect_dma semaphore(%arg14 : memref<!tpu.dma_semaphore, #tpu.memory_space<semaphore_mem>>) src(%dma_wait3A_72 : memref<10240x128xf32, #tpu.memory_space<hbm>>) dst(%arg11 : memref<128x128xf32, #tpu.memory_space<vmem>>)
        %mul3A_73 = arith.constant 2 : i32
        %mul3A_74 = arith.muli %scan3A_39, %mul3A_73 : i32
        %add3A_75 = arith.constant 1 : i32
        %add3A_76 = arith.addi %mul3A_74, %add3A_75 : i32
        "tpu.region"() ({
          %run_scoped3A = tpu.sem_alloc : memref<!tpu.dma_semaphore, #tpu.memory_space<semaphore_mem>>
          %dma_start3A_77 = arith.constant 0 : i32
          %dma_start3A_78 = tpu.memref_slice %arg9[%add3A_76, %dma_start3A_77] : memref<40x128xi32, #tpu.memory_space<vmem>> -> memref<1x128xi32, #tpu.memory_space<vmem>>
          %dma_start3A_79 = tpu.memref_squeeze %dma_start3A_78 : memref<1x128xi32, #tpu.memory_space<vmem>> -> memref<128xi32, #tpu.memory_space<vmem>>
          %dma_start3A_80 = arith.constant 0 : i32
          %dma_start3A_81 = arith.constant 0 : i32
          %dma_start3A_82 = tpu.memref_slice %arg12[%dma_start3A_80, %dma_start3A_81] : memref<10240x128xf32, #tpu.memory_space<vmem_shared>> -> memref<10240x128xf32, #tpu.memory_space<vmem_shared>>
          tpu.enqueue_indirect_dma source(%arg11 : memref<128x128xf32, #tpu.memory_space<vmem>>) target(%dma_start3A_82 : memref<10240x128xf32, #tpu.memory_space<vmem_shared>>) offsets(%dma_start3A_79 : memref<128xi32, #tpu.memory_space<vmem>>) semaphore(%run_scoped3A : memref<!tpu.dma_semaphore, #tpu.memory_space<semaphore_mem>>) {add = true}
          %dma_wait3A_83 = arith.constant 0 : i32
          %dma_wait3A_84 = tpu.memref_slice %arg9[%add3A_76, %dma_wait3A_83] : memref<40x128xi32, #tpu.memory_space<vmem>> -> memref<1x128xi32, #tpu.memory_space<vmem>>
          %dma_wait3A_85 = tpu.memref_squeeze %dma_wait3A_84 : memref<1x128xi32, #tpu.memory_space<vmem>> -> memref<128xi32, #tpu.memory_space<vmem>>
          %dma_wait3A_86 = arith.constant 0 : i32
          %dma_wait3A_87 = arith.constant 0 : i32
          %dma_wait3A_88 = tpu.memref_slice %arg12[%dma_wait3A_86, %dma_wait3A_87] : memref<10240x128xf32, #tpu.memory_space<vmem_shared>> -> memref<10240x128xf32, #tpu.memory_space<vmem_shared>>
          tpu.wait_indirect_dma semaphore(%run_scoped3A : memref<!tpu.dma_semaphore, #tpu.memory_space<semaphore_mem>>) src(%arg11 : memref<128x128xf32, #tpu.memory_space<vmem>>) dst(%dma_wait3A_88 : memref<10240x128xf32, #tpu.memory_space<vmem_shared>>)
          tpu.yield
        }) : () -> ()
      }
      %scan3A_38 = arith.constant 20 : i32
    }
    %scan3A_11 = arith.constant 2 : i32
    %barrier3A_12 = arith.constant 0 : index
    tpu.barrier barrier_id(%barrier3A_12)
    %eq3A = arith.constant 0 : i32
    %eq3A_13 = arith.cmpi eq, %arg0, %eq3A : i32
    %convert_element_type3A = arith.extui %eq3A_13 : i1 to i32
    %cond3A = arith.constant 0 : i32
    %cond3A_14 = arith.cmpi ne, %convert_element_type3A, %cond3A : i32
    scf.if %cond3A_14 {
      %mul3A_20 = arith.constant 640 : i32
      %mul3A_21 = arith.muli %arg1, %mul3A_20 : i32
      %mul3A_22 = arith.constant 640 : i32
      %mul3A_23 = arith.muli %arg1, %mul3A_22 : i32
      "tpu.region"() ({
        %run_scoped3A = tpu.sem_alloc : memref<!tpu.dma_semaphore, #tpu.memory_space<semaphore_mem>>
        %dma_start3A = arith.constant 0 : i32
        %dma_start3A_24 = tpu.memref_slice %arg6[%mul3A_23, %dma_start3A] : memref<10240x128xf32, #tpu.memory_space<hbm>> -> memref<640x128xf32, #tpu.memory_space<hbm>>
        %dma_start3A_25 = arith.constant 0 : i32
        %dma_start3A_26 = tpu.memref_slice %arg12[%mul3A_21, %dma_start3A_25] : memref<10240x128xf32, #tpu.memory_space<vmem_shared>> -> memref<640x128xf32, #tpu.memory_space<vmem_shared>>
        tpu.enqueue_dma source(%dma_start3A_26 : memref<640x128xf32, #tpu.memory_space<vmem_shared>>) target(%dma_start3A_24 : memref<640x128xf32, #tpu.memory_space<hbm>>) target_semaphore(%run_scoped3A : memref<!tpu.dma_semaphore, #tpu.memory_space<semaphore_mem>>)
        %dma_wait3A = arith.constant 0 : i32
        %dma_wait3A_27 = tpu.memref_slice %arg6[%mul3A_23, %dma_wait3A] : memref<10240x128xf32, #tpu.memory_space<hbm>> -> memref<640x128xf32, #tpu.memory_space<hbm>>
        %dma_wait3A_28 = arith.constant 0 : i32
        %dma_wait3A_29 = tpu.memref_slice %arg12[%mul3A_21, %dma_wait3A_28] : memref<10240x128xf32, #tpu.memory_space<vmem_shared>> -> memref<640x128xf32, #tpu.memory_space<vmem_shared>>
        tpu.wait_dma2 semaphore(%run_scoped3A : memref<!tpu.dma_semaphore, #tpu.memory_space<semaphore_mem>>) src(%dma_wait3A_29 : memref<640x128xf32, #tpu.memory_space<vmem_shared>>) dst(%dma_wait3A_27 : memref<640x128xf32, #tpu.memory_space<hbm>>)
        tpu.yield
      }) : () -> ()
    } else {
    }
    %eq3A_15 = arith.constant 1 : i32
    %eq3A_16 = arith.cmpi eq, %arg0, %eq3A_15 : i32
    %convert_element_type3A_17 = arith.extui %eq3A_16 : i1 to i32
    %cond3A_18 = arith.constant 0 : i32
    %cond3A_19 = arith.cmpi ne, %convert_element_type3A_17, %cond3A_18 : i32
    scf.if %cond3A_19 {
      %mul3A_20 = arith.constant 640 : i32
      %mul3A_21 = arith.muli %arg1, %mul3A_20 : i32
      %mul3A_22 = arith.constant 640 : i32
      %mul3A_23 = arith.muli %arg1, %mul3A_22 : i32
      "tpu.region"() ({
        %run_scoped3A = tpu.sem_alloc : memref<!tpu.dma_semaphore, #tpu.memory_space<semaphore_mem>>
        %dma_start3A = arith.constant 0 : i32
        %dma_start3A_24 = tpu.memref_slice %arg7[%mul3A_23, %dma_start3A] : memref<10240x128xf32, #tpu.memory_space<hbm>> -> memref<640x128xf32, #tpu.memory_space<hbm>>
        %dma_start3A_25 = arith.constant 0 : i32
        %dma_start3A_26 = tpu.memref_slice %arg12[%mul3A_21, %dma_start3A_25] : memref<10240x128xf32, #tpu.memory_space<vmem_shared>> -> memref<640x128xf32, #tpu.memory_space<vmem_shared>>
        tpu.enqueue_dma source(%dma_start3A_26 : memref<640x128xf32, #tpu.memory_space<vmem_shared>>) target(%dma_start3A_24 : memref<640x128xf32, #tpu.memory_space<hbm>>) target_semaphore(%run_scoped3A : memref<!tpu.dma_semaphore, #tpu.memory_space<semaphore_mem>>)
        %dma_wait3A = arith.constant 0 : i32
        %dma_wait3A_27 = tpu.memref_slice %arg7[%mul3A_23, %dma_wait3A] : memref<10240x128xf32, #tpu.memory_space<hbm>> -> memref<640x128xf32, #tpu.memory_space<hbm>>
        %dma_wait3A_28 = arith.constant 0 : i32
        %dma_wait3A_29 = tpu.memref_slice %arg12[%mul3A_21, %dma_wait3A_28] : memref<10240x128xf32, #tpu.memory_space<vmem_shared>> -> memref<640x128xf32, #tpu.memory_space<vmem_shared>>
        tpu.wait_dma2 semaphore(%run_scoped3A : memref<!tpu.dma_semaphore, #tpu.memory_space<semaphore_mem>>) src(%dma_wait3A_29 : memref<640x128xf32, #tpu.memory_space<vmem_shared>>) dst(%dma_wait3A_27 : memref<640x128xf32, #tpu.memory_space<hbm>>)
        tpu.yield
      }) : () -> ()
    } else {
    }
    return
  }
}

module attributes {stable_mosaic.version = 14 : i64} {
  func.func @_tc_first_body(%arg0: i32, %arg1: memref<2x512x128xf32, #tpu.memory_space<vmem>>, %arg2: memref<512x128xf32, #tpu.memory_space<vmem>>, %arg3: memref<128x128xf32, #tpu.memory_space<vmem>>, %arg4: memref<512x128xf32, #tpu.memory_space<vmem>>, %arg5: memref<512x8xf32, #tpu.memory_space<vmem>>) attributes {dimension_semantics = [#tpu.dimension_semantics<arbitrary>], iteration_bounds = array<i64: 20>, scalar_prefetch = 0 : i64, scratch_operands = 0 : i64, tpu.core_type = #tpu.core_type<tc>, window_params = [{transform_indices = @transform_0, window_bounds = array<i64: 2, 512, 128>}, {transform_indices = @transform_1, window_bounds = array<i64: 512, 128>}, {pipeline_mode = #tpu.pipeline_mode<synchronous>, transform_indices = @transform_2, window_bounds = array<i64: 128, 128>}, {transform_indices = @transform_3, window_bounds = array<i64: 512, 128>}, {transform_indices = @transform_4, window_bounds = array<i64: 512, 8>}]} {
    %get3A = arith.constant 0 : index
    %get3A_0 = arith.constant 0 : index
    %get3A_1 = arith.constant 0 : index
    %get3A_2 = vector.load %arg1[%get3A, %get3A_0, %get3A_1] : memref<2x512x128xf32, #tpu.memory_space<vmem>>, vector<2x512x128xf32>
    %slice3A = vector.extract_strided_slice %get3A_2 {offsets = [0, 0, 0], sizes = [1, 512, 1], strides = [1, 1, 1]} : vector<2x512x128xf32> to vector<1x512x1xf32>
    %squeeze3A = vector.shape_cast %slice3A : vector<1x512x1xf32> to vector<512xf32>
    %slice3A_3 = vector.extract_strided_slice %get3A_2 {offsets = [1, 0, 0], sizes = [1, 512, 1], strides = [1, 1, 1]} : vector<2x512x128xf32> to vector<1x512x1xf32>
    %squeeze3A_4 = vector.shape_cast %slice3A_3 : vector<1x512x1xf32> to vector<512xf32>
    %add3A = arith.addf %squeeze3A, %squeeze3A_4 : vector<512xf32>
    %add3A_5 = arith.constant 1.000000e+00 : f32
    %add3A_6 = vector.broadcast %add3A_5 : f32 to vector<512xf32>
    %add3A_7 = arith.addf %add3A, %add3A_6 : vector<512xf32>
    %rsqrt3A = math.rsqrt %add3A_7 : vector<512xf32>
    %broadcast_in_dim3A = vector.shape_cast %rsqrt3A : vector<512xf32> to vector<512x1xf32>
    %broadcast_in_dim3A_8 = vector.shape_cast %broadcast_in_dim3A : vector<512x1xf32> to vector<512x1xf32>
    %broadcast_in_dim3A_9 = vector.broadcast %broadcast_in_dim3A_8 : vector<512x1xf32> to vector<512x8xf32>
    %swap3A = arith.constant 0 : index
    %swap3A_10 = arith.constant 0 : index
    %swap3A_11 = vector.load %arg5[%swap3A, %swap3A_10] : memref<512x8xf32, #tpu.memory_space<vmem>>, vector<512x8xf32>
    tpu.vector_store %arg5[%swap3A, %swap3A_10], %broadcast_in_dim3A_9 {strides = array<i32>} : memref<512x8xf32, #tpu.memory_space<vmem>>, vector<512x8xf32>,
    %get3A_12 = arith.constant 0 : index
    %get3A_13 = arith.constant 0 : index
    %get3A_14 = vector.load %arg2[%get3A_12, %get3A_13] : memref<512x128xf32, #tpu.memory_space<vmem>>, vector<512x128xf32>
    %get3A_15 = arith.constant 0 : index
    %get3A_16 = arith.constant 0 : index
    %get3A_17 = vector.load %arg3[%get3A_15, %get3A_16] : memref<128x128xf32, #tpu.memory_space<vmem>>, vector<128x128xf32>
    %dot_general3A = arith.constant dense<0.000000e+00> : vector<512x128xf32>
    %dot_general3A_18 = tpu.matmul %get3A_14, %get3A_17, %dot_general3A {dimension_numbers = #tpu.dot_dimension_numbers<[1], [0], [0], [1], [0, 0, 1, 1], [], []>, transpose_lhs_hint = false} : vector<512x128xf32>, vector<128x128xf32>, vector<512x128xf32> -> vector<512x128xf32>
    %broadcast_in_dim3A_19 = vector.shape_cast %rsqrt3A : vector<512xf32> to vector<512x1xf32>
    %mul3A = vector.broadcast %broadcast_in_dim3A_19 : vector<512x1xf32> to vector<512x128xf32>
    %mul3A_20 = arith.mulf %dot_general3A_18, %mul3A : vector<512x128xf32>
    %swap3A_21 = arith.constant 0 : index
    %swap3A_22 = arith.constant 0 : index
    %swap3A_23 = vector.load %arg4[%swap3A_21, %swap3A_22] : memref<512x128xf32, #tpu.memory_space<vmem>>, vector<512x128xf32>
    tpu.vector_store %arg4[%swap3A_21, %swap3A_22], %mul3A_20 {strides = array<i32>} : memref<512x128xf32, #tpu.memory_space<vmem>>, vector<512x128xf32>,
    return
  }
  func.func @transform_0(%arg0: i32) -> (i32, i32, i32) {
    %c0_i32 = arith.constant 0 : i32
    %c0_i32_0 = arith.constant 0 : i32
    %c0_i32_1 = arith.constant 0 : i32
    return %c0_i32, %arg0, %c0_i32_0 : i32, i32, i32
  }
  func.func @transform_1(%arg0: i32) -> (i32, i32) {
    %c0_i32 = arith.constant 0 : i32
    %c0_i32_0 = arith.constant 0 : i32
    return %arg0, %c0_i32 : i32, i32
  }
  func.func @transform_2(%arg0: i32) -> (i32, i32) {
    %c0_i32 = arith.constant 0 : i32
    %c0_i32_0 = arith.constant 0 : i32
    %c0_i32_1 = arith.constant 0 : i32
    return %c0_i32, %c0_i32_0 : i32, i32
  }
  func.func @transform_3(%arg0: i32) -> (i32, i32) {
    %c0_i32 = arith.constant 0 : i32
    %c0_i32_0 = arith.constant 0 : i32
    return %arg0, %c0_i32 : i32, i32
  }
  func.func @transform_4(%arg0: i32) -> (i32, i32) {
    %c0_i32 = arith.constant 0 : i32
    %c0_i32_0 = arith.constant 0 : i32
    return %arg0, %c0_i32 : i32, i32
  }
}

module attributes {stable_mosaic.version = 14 : i64} {
  func.func @_tc_mid_body(%arg0: i32, %arg1: memref<512x8xf32, #tpu.memory_space<vmem>>, %arg2: memref<512x128xf32, #tpu.memory_space<vmem>>, %arg3: memref<512x128xf32, #tpu.memory_space<vmem>>, %arg4: memref<512x128xf32, #tpu.memory_space<vmem>>, %arg5: memref<128x128xf32, #tpu.memory_space<vmem>>, %arg6: memref<1x128xf32, #tpu.memory_space<vmem>>, %arg7: memref<512x128xf32, #tpu.memory_space<vmem>>) attributes {dimension_semantics = [#tpu.dimension_semantics<arbitrary>], iteration_bounds = array<i64: 20>, scalar_prefetch = 0 : i64, scratch_operands = 0 : i64, tpu.core_type = #tpu.core_type<tc>, window_params = [{transform_indices = @transform_0, window_bounds = array<i64: 512, 8>}, {transform_indices = @transform_1, window_bounds = array<i64: 512, 128>}, {transform_indices = @transform_2, window_bounds = array<i64: 512, 128>}, {transform_indices = @transform_3, window_bounds = array<i64: 512, 128>}, {pipeline_mode = #tpu.pipeline_mode<synchronous>, transform_indices = @transform_4, window_bounds = array<i64: 128, 128>}, {pipeline_mode = #tpu.pipeline_mode<synchronous>, transform_indices = @transform_5, window_bounds = array<i64: 1, 128>}, {transform_indices = @transform_6, window_bounds = array<i64: 512, 128>}]} {
    %get3A = arith.constant 0 : index
    %get3A_0 = arith.constant 0 : index
    %get3A_1 = vector.load %arg1[%get3A, %get3A_0] : memref<512x8xf32, #tpu.memory_space<vmem>>, vector<512x8xf32>
    %slice3A = vector.extract_strided_slice %get3A_1 {offsets = [0, 0], sizes = [512, 1], strides = [1, 1]} : vector<512x8xf32> to vector<512x1xf32>
    %squeeze3A = vector.shape_cast %slice3A : vector<512x1xf32> to vector<512xf32>
    %get3A_2 = arith.constant 0 : index
    %get3A_3 = arith.constant 0 : index
    %get3A_4 = vector.load %arg2[%get3A_2, %get3A_3] : memref<512x128xf32, #tpu.memory_space<vmem>>, vector<512x128xf32>
    %get3A_5 = arith.constant 0 : index
    %get3A_6 = arith.constant 0 : index
    %get3A_7 = vector.load %arg3[%get3A_5, %get3A_6] : memref<512x128xf32, #tpu.memory_space<vmem>>, vector<512x128xf32>
    %add3A = arith.addf %get3A_4, %get3A_7 : vector<512x128xf32>
    %get3A_8 = arith.constant 0 : index
    %get3A_9 = arith.constant 0 : index
    %get3A_10 = vector.load %arg4[%get3A_8, %get3A_9] : memref<512x128xf32, #tpu.memory_space<vmem>>, vector<512x128xf32>
    %add3A_11 = arith.addf %add3A, %get3A_10 : vector<512x128xf32>
    %broadcast_in_dim3A = vector.shape_cast %squeeze3A : vector<512xf32> to vector<512x1xf32>
    %mul3A = vector.broadcast %broadcast_in_dim3A : vector<512x1xf32> to vector<512x128xf32>
    %mul3A_12 = arith.mulf %add3A_11, %mul3A : vector<512x128xf32>
    %get3A_13 = arith.constant 0 : index
    %get3A_14 = arith.constant 0 : index
    %get3A_15 = vector.load %arg6[%get3A_13, %get3A_14] : memref<1x128xf32, #tpu.memory_space<vmem>>, vector<1x128xf32>
    %add3A_16 = vector.broadcast %get3A_15 : vector<1x128xf32> to vector<512x128xf32>
    %add3A_17 = arith.addf %mul3A_12, %add3A_16 : vector<512x128xf32>
    %max3A = arith.constant 0.000000e+00 : f32
    %max3A_18 = vector.broadcast %max3A : f32 to vector<512x128xf32>
    %max3A_19 = arith.maximumf %add3A_17, %max3A_18 : vector<512x128xf32>
    %get3A_20 = arith.constant 0 : index
    %get3A_21 = arith.constant 0 : index
    %get3A_22 = vector.load %arg5[%get3A_20, %get3A_21] : memref<128x128xf32, #tpu.memory_space<vmem>>, vector<128x128xf32>
    %dot_general3A = arith.constant dense<0.000000e+00> : vector<512x128xf32>
    %dot_general3A_23 = tpu.matmul %max3A_19, %get3A_22, %dot_general3A {dimension_numbers = #tpu.dot_dimension_numbers<[1], [0], [0], [1], [0, 0, 1, 1], [], []>, transpose_lhs_hint = false} : vector<512x128xf32>, vector<128x128xf32>, vector<512x128xf32> -> vector<512x128xf32>
    %broadcast_in_dim3A_24 = vector.shape_cast %squeeze3A : vector<512xf32> to vector<512x1xf32>
    %mul3A_25 = vector.broadcast %broadcast_in_dim3A_24 : vector<512x1xf32> to vector<512x128xf32>
    %mul3A_26 = arith.mulf %dot_general3A_23, %mul3A_25 : vector<512x128xf32>
    %swap3A = arith.constant 0 : index
    %swap3A_27 = arith.constant 0 : index
    %swap3A_28 = vector.load %arg7[%swap3A, %swap3A_27] : memref<512x128xf32, #tpu.memory_space<vmem>>, vector<512x128xf32>
    tpu.vector_store %arg7[%swap3A, %swap3A_27], %mul3A_26 {strides = array<i32>} : memref<512x128xf32, #tpu.memory_space<vmem>>, vector<512x128xf32>,
    return
  }
  func.func @transform_0(%arg0: i32) -> (i32, i32) {
    %c0_i32 = arith.constant 0 : i32
    %c0_i32_0 = arith.constant 0 : i32
    return %arg0, %c0_i32 : i32, i32
  }
  func.func @transform_1(%arg0: i32) -> (i32, i32) {
    %c0_i32 = arith.constant 0 : i32
    %c0_i32_0 = arith.constant 0 : i32
    return %arg0, %c0_i32 : i32, i32
  }
  func.func @transform_2(%arg0: i32) -> (i32, i32) {
    %c0_i32 = arith.constant 0 : i32
    %c0_i32_0 = arith.constant 0 : i32
    return %arg0, %c0_i32 : i32, i32
  }
  func.func @transform_3(%arg0: i32) -> (i32, i32) {
    %c0_i32 = arith.constant 0 : i32
    %c0_i32_0 = arith.constant 0 : i32
    return %arg0, %c0_i32 : i32, i32
  }
  func.func @transform_4(%arg0: i32) -> (i32, i32) {
    %c0_i32 = arith.constant 0 : i32
    %c0_i32_0 = arith.constant 0 : i32
    %c0_i32_1 = arith.constant 0 : i32
    return %c0_i32, %c0_i32_0 : i32, i32
  }
  func.func @transform_5(%arg0: i32) -> (i32, i32) {
    %c0_i32 = arith.constant 0 : i32
    %c0_i32_0 = arith.constant 0 : i32
    %c0_i32_1 = arith.constant 0 : i32
    return %c0_i32, %c0_i32_0 : i32, i32
  }
  func.func @transform_6(%arg0: i32) -> (i32, i32) {
    %c0_i32 = arith.constant 0 : i32
    %c0_i32_0 = arith.constant 0 : i32
    return %arg0, %c0_i32 : i32, i32
  }
}

module attributes {stable_mosaic.version = 14 : i64} {
  func.func @_tc_last_body(%arg0: i32, %arg1: memref<512x8xf32, #tpu.memory_space<vmem>>, %arg2: memref<512x128xf32, #tpu.memory_space<vmem>>, %arg3: memref<512x128xf32, #tpu.memory_space<vmem>>, %arg4: memref<512x128xf32, #tpu.memory_space<vmem>>, %arg5: memref<1x128xf32, #tpu.memory_space<vmem>>, %arg6: memref<512x128xf32, #tpu.memory_space<vmem>>) attributes {dimension_semantics = [#tpu.dimension_semantics<arbitrary>], iteration_bounds = array<i64: 20>, scalar_prefetch = 0 : i64, scratch_operands = 0 : i64, tpu.core_type = #tpu.core_type<tc>, window_params = [{transform_indices = @transform_0, window_bounds = array<i64: 512, 8>}, {transform_indices = @transform_1, window_bounds = array<i64: 512, 128>}, {transform_indices = @transform_2, window_bounds = array<i64: 512, 128>}, {transform_indices = @transform_3, window_bounds = array<i64: 512, 128>}, {pipeline_mode = #tpu.pipeline_mode<synchronous>, transform_indices = @transform_4, window_bounds = array<i64: 1, 128>}, {transform_indices = @transform_5, window_bounds = array<i64: 512, 128>}]} {
    %get3A = arith.constant 0 : index
    %get3A_0 = arith.constant 0 : index
    %get3A_1 = vector.load %arg1[%get3A, %get3A_0] : memref<512x8xf32, #tpu.memory_space<vmem>>, vector<512x8xf32>
    %slice3A = vector.extract_strided_slice %get3A_1 {offsets = [0, 0], sizes = [512, 1], strides = [1, 1]} : vector<512x8xf32> to vector<512x1xf32>
    %squeeze3A = vector.shape_cast %slice3A : vector<512x1xf32> to vector<512xf32>
    %get3A_2 = arith.constant 0 : index
    %get3A_3 = arith.constant 0 : index
    %get3A_4 = vector.load %arg2[%get3A_2, %get3A_3] : memref<512x128xf32, #tpu.memory_space<vmem>>, vector<512x128xf32>
    %get3A_5 = arith.constant 0 : index
    %get3A_6 = arith.constant 0 : index
    %get3A_7 = vector.load %arg3[%get3A_5, %get3A_6] : memref<512x128xf32, #tpu.memory_space<vmem>>, vector<512x128xf32>
    %add3A = arith.addf %get3A_4, %get3A_7 : vector<512x128xf32>
    %get3A_8 = arith.constant 0 : index
    %get3A_9 = arith.constant 0 : index
    %get3A_10 = vector.load %arg4[%get3A_8, %get3A_9] : memref<512x128xf32, #tpu.memory_space<vmem>>, vector<512x128xf32>
    %add3A_11 = arith.addf %add3A, %get3A_10 : vector<512x128xf32>
    %broadcast_in_dim3A = vector.shape_cast %squeeze3A : vector<512xf32> to vector<512x1xf32>
    %mul3A = vector.broadcast %broadcast_in_dim3A : vector<512x1xf32> to vector<512x128xf32>
    %mul3A_12 = arith.mulf %add3A_11, %mul3A : vector<512x128xf32>
    %get3A_13 = arith.constant 0 : index
    %get3A_14 = arith.constant 0 : index
    %get3A_15 = vector.load %arg5[%get3A_13, %get3A_14] : memref<1x128xf32, #tpu.memory_space<vmem>>, vector<1x128xf32>
    %add3A_16 = vector.broadcast %get3A_15 : vector<1x128xf32> to vector<512x128xf32>
    %add3A_17 = arith.addf %mul3A_12, %add3A_16 : vector<512x128xf32>
    %swap3A = arith.constant 0 : index
    %swap3A_18 = arith.constant 0 : index
    %swap3A_19 = vector.load %arg6[%swap3A, %swap3A_18] : memref<512x128xf32, #tpu.memory_space<vmem>>, vector<512x128xf32>
    tpu.vector_store %arg6[%swap3A, %swap3A_18], %add3A_17 {strides = array<i32>} : memref<512x128xf32, #tpu.memory_space<vmem>>, vector<512x128xf32>,
    return
  }
  func.func @transform_0(%arg0: i32) -> (i32, i32) {
    %c0_i32 = arith.constant 0 : i32
    %c0_i32_0 = arith.constant 0 : i32
    return %arg0, %c0_i32 : i32, i32
  }
  func.func @transform_1(%arg0: i32) -> (i32, i32) {
    %c0_i32 = arith.constant 0 : i32
    %c0_i32_0 = arith.constant 0 : i32
    return %arg0, %c0_i32 : i32, i32
  }
  func.func @transform_2(%arg0: i32) -> (i32, i32) {
    %c0_i32 = arith.constant 0 : i32
    %c0_i32_0 = arith.constant 0 : i32
    return %arg0, %c0_i32 : i32, i32
  }
  func.func @transform_3(%arg0: i32) -> (i32, i32) {
    %c0_i32 = arith.constant 0 : i32
    %c0_i32_0 = arith.constant 0 : i32
    return %arg0, %c0_i32 : i32, i32
  }
  func.func @transform_4(%arg0: i32) -> (i32, i32) {
    %c0_i32 = arith.constant 0 : i32
    %c0_i32_0 = arith.constant 0 : i32
    %c0_i32_1 = arith.constant 0 : i32
    return %c0_i32, %c0_i32_0 : i32, i32
  }
  func.func @transform_5(%arg0: i32) -> (i32, i32) {
    %c0_i32 = arith.constant 0 : i32
    %c0_i32_0 = arith.constant 0 : i32
    return %arg0, %c0_i32 : i32, i32
  }
}

</mosaic_0001>

<sc_bundles>
// kernel: kernel.10.cloned.1.call-start
scs
__scs_entry_jumppad:
0x0: {  	(pc) =	sbr.rel $0x88, $3  }
0x1: {  	(tag) =	ssettag $0x0;
	lr =	simm.s32 $0x1  }
0x2: {  	[smem:$0x3F99] =	sst lr;
	_ =	strace $0xD0000000  }
0x3: {  	_ = 	snop  }
0x4: {  	_ = 	snop  }
0x5: {  	_ = 	snop  }
0x6: {  	_ = 	snop  }
0x7: {  	_ = 	snop  }
__scs_overlays_trampoline_lowered:
0x8: {  	[smem:$0x3FA8] =	sst s0  }
0x9: {  	[smem:$0x3FA9] =	sst s1  }
0xa: {  	[smem:$0x3FAA] =	sst s2  }
0xb: {  	[smem:$0x3FAB] =	sst s3  }
0xc: {  	[smem:$0x3FAC] =	sst s4  }
0xd: {  	[smem:$0x3FAD] =	sst s5  }
0xe: {  	[smem:$0x3FAE] =	sst s6  }
0xf: {  	[smem:$0x3FAF] =	sst s7  }
0x10: {  	[smem:$0x3FB0] =	sst s8  }
0x11: {  	[smem:$0x3FB1] =	sst s9;
	s0 =	simm.s32 @!p0 $0x0  }
0x12: {  	s1 =	sld [smem:$0x3F97];
	s0 =	simm.s32 @p0 $0x1  }
0x13: {  	[smem:$0x3FB2] =	sst s0;
	s0 =	simm.s32 @!p1 $0x0  }
0x14: {  	s2 =	sld [smem:$0x3F96];
	s0 =	simm.s32 @p1 $0x1  }
0x15: {  	[smem:$0x3FB3] =	sst s0;
	s0 =	simm.s32 @!p2 $0x0  }
0x16: {  	s3 =	sld [smem:$0x3FDB];
	s0 =	simm.s32 @p2 $0x1  }
0x17: {  	s4 =	simm.s32 $0x1BF5;
	[smem:$0x3FB5] =	sst s0  }
0x18: {  	s0 =	sld [smem:$0x3F98];
	_ =	swait.ge [sflag:s4], $0x0  }
0x19: {  	s7 =	sld [smem:$0x3F99]  }
0x1a: {  	s8 =	sadd.s32 $0xFFFFE003, lr  }
0x1b: {  	s9 =	sadd.s32 $0xFFFFFEF7, lr;
	s5 =	simm.s32 $0xFFFFFFFF;
	p2 =	slt.u32 s8, $0xFFFFF086  }
0x1c: {  	p1 =	slt.u32 s9, $0xF7A;
	s5 =	simm.s32 @!p2 $0x0  }
0x1d: {  	s5 =	simm.s32 @p1 $0x1;
	p0 =	seq.s32 s7, s2  }
0x1e: {  	s7 =	smul.u32 @!p0 $0xF7A, s2;
	p2 =	seq.s32 @!p0 s5, $0x0  }
0x1f: {  	s9 =	smul.u32 $0xF7A, s1;
	s8 =	simm.s32 @!p0 $0x1BF5;
	p2 =	por !p2, p0  }
0x20: {  	[sflag:s8] =	ssyncset.s32 @!p0 $0xFFFFF086;
	s6 =	sadd.s32 @!p0 s3, s7;
	s7 =	simm.s32 @!p0 $0x108  }
0x21: {  	s3 =	sadd.s32 s3, s9;
	s6 =	sadd.s32 @!p0 $0x88, s6;
	s7 =	simm.s32 @p2 $0x1082  }
0x22: {  	[simem:s7], [sflag:s8] =	dma.local @!p0 [hbm:s6], $0xF7A  }
0x23: {  	s9 =	sor.u32 $0xD0000000, s2;
	s6 =	simm.s32 $0x108;
	_ =	swait.ge @!p0 [sflag:s8], $0x0  }
0x24: {  	s3 =	sadd.s32 $0x88, s3;
	s6 =	simm.s32 @!p1 $0x1082;
	[sflag:s4] =	ssyncset.s32 $0xFFFFF086  }
0x25: {  	[simem:s6], [sflag:s4] =	dma.local [hbm:s3], $0xF7A  }
0x26: {  	[smem:$0x3F99] =	sst s1;
	(tag) =	ssettag s2;
	_ =	strace s9  }
0x27: {  	s1 =	sld [smem:$0x3FA9]  }
0x28: {  	s2 =	sld [smem:$0x3FAA]  }
0x29: {  	s4 =	sld [smem:$0x3FAC]  }
0x2a: {  	p0 =	seq.s32 s5, $0x0;
	s5 =	sld [smem:$0x3FAD]  }
0x2b: {  	s6 =	sld [smem:$0x3FAE]  }
0x2c: {  	s7 =	sld [smem:$0x3FAF]  }
0x2d: {  	s3 =	simm.s32 $0x108;
	s8 =	sld [smem:$0x3FB0]  }
0x2e: {  	s3 =	simm.s32 @!p0 $0x1082;
	s9 =	sld [smem:$0x3FB1]  }
0x2f: {  	lr =	sadd.s32 s0, s3;
	s0 =	sld [smem:$0x3FA8]  }
0x30: {  	s3 =	sld [smem:$0x3FAB]  }
0x31: {  	[smem:$0x3FB4] =	sst s10  }
0x32: {  	s10 =	sld [smem:$0x3FB2];
	_ =	sdelay $0x3  }
0x33: {  	p0 =	seq.s32 s10, $0x1;
	s10 =	sld [smem:$0x3FB4];
	_ =	sdelay $0x3  }
0x34: {  	[smem:$0x3FB4] =	sst s10  }
0x35: {  	s10 =	sld [smem:$0x3FB3];
	_ =	sdelay $0x3  }
0x36: {  	p1 =	seq.s32 s10, $0x1;
	s10 =	sld [smem:$0x3FB4];
	_ =	sdelay $0x3  }
0x37: {  	[smem:$0x3FB4] =	sst s10  }
0x38: {  	s10 =	sld [smem:$0x3FB5]  }
0x39: {  	_ = 	snop;
	(pc) =	sbr.ind lr, $3  }
0x3a: {  	_ = 	snop  }
0x3b: {  	_ = 	snop  }
0x3c: {  	p2 =	seq.s32 s10, $0x1;
	s10 =	sld [smem:$0x3FB4]  }
0x3d: {  	_ =	shalt  }
0x3e: {  	_ =	shalt  }
0x3f: {  	_ =	shalt  }
0x40: {  	_ =	shalt  }
0x41: {  	_ =	shalt  }
0x42: {  	_ =	shalt  }
0x43: {  	_ =	shalt  }
0x44: {  	_ =	shalt  }
0x45: {  	_ =	shalt  }
0x46: {  	_ =	shalt  }
0x47: {  	_ =	shalt  }
0x48: {  	_ =	shalt  }
0x49: {  	_ =	shalt  }
0x4a: {  	_ =	shalt  }
0x4b: {  	_ =	shalt  }
0x4c: {  	_ =	shalt  }
0x4d: {  	_ =	shalt  }
0x4e: {  	_ =	shalt  }
0x4f: {  	_ =	shalt  }
0x50: {  	_ =	shalt  }
0x51: {  	_ =	shalt  }
0x52: {  	_ =	shalt  }
0x53: {  	_ =	shalt  }
0x54: {  	_ =	shalt  }
0x55: {  	_ =	shalt  }
0x56: {  	_ =	shalt  }
0x57: {  	_ =	shalt  }
0x58: {  	_ =	shalt  }
0x59: {  	_ =	shalt  }
0x5a: {  	_ =	shalt  }
0x5b: {  	_ =	shalt  }
0x5c: {  	_ =	shalt  }
0x5d: {  	_ =	shalt  }
0x5e: {  	_ =	shalt  }
0x5f: {  	_ =	shalt  }
0x60: {  	_ =	shalt  }
0x61: {  	_ =	shalt  }
0x62: {  	_ =	shalt  }
0x63: {  	_ =	shalt  }
0x64: {  	_ =	shalt  }
0x65: {  	_ =	shalt  }
0x66: {  	_ =	shalt  }
0x67: {  	_ =	shalt  }
0x68: {  	_ =	shalt  }
0x69: {  	_ =	shalt  }
0x6a: {  	_ =	shalt  }
0x6b: {  	_ =	shalt  }
0x6c: {  	_ =	shalt  }
0x6d: {  	_ =	shalt  }
0x6e: {  	_ =	shalt  }
0x6f: {  	_ =	shalt  }
0x70: {  	_ =	shalt  }
0x71: {  	_ =	shalt  }
0x72: {  	_ =	shalt  }
0x73: {  	_ =	shalt  }
0x74: {  	_ =	shalt  }
0x75: {  	_ =	shalt  }
0x76: {  	_ =	shalt  }
0x77: {  	_ =	shalt  }
0x78: {  	_ =	shalt  }
0x79: {  	_ =	shalt  }
0x7a: {  	_ =	shalt  }
0x7b: {  	_ =	shalt  }
0x7c: {  	_ =	shalt  }
0x7d: {  	_ =	shalt  }
0x7e: {  	_ =	shalt  }
0x7f: {  	_ =	shalt  }
0x80: {  	_ =	shalt  }
0x81: {  	_ =	shalt  }
0x82: {  	_ =	shalt  }
0x83: {  	_ =	shalt  }
0x84: {  	_ =	shalt  }
0x85: {  	_ =	shalt  }
0x86: {  	_ =	shalt  }
0x87: {  	_ =	shalt  }
.Lfunc_end0:
.L_simem_size_0:
called_computation_lowered:
.L_overlay_start_0:
0x88: {  	s2 =	sld [smem:$0x3FD9]  }
0x89: {  	s3 =	sld [smem:$0x3FFE];
	_ =	sdelay $0x1  }
0x8a: {  	s1 =	srdreg.scid  }
0x8b: {  	s0 =	sand.u32 $0x1, s1  }
0x8c: {  	s16 =	sshll.u32 s0, $0xA;
	s2 =	sadd.s32 s3, s2  }
0x8d: {  	s2 =	sadd.s32 s2, s16  }
0x8e: {  	[smem:$0x3FC0] =	sst s2  }
0x8f: {  	_ = 	snop  }
0x90: {  	(tm) =	ssettm $0x1  }
0x91: {  	s17 =	sld [smem:$0x3FFB];
	_ =	sdelay $0x3  }
0x92: {  	_ =	strace s17  }
0x93: {  	s2 =	sld [smem:$0x3FFC];
	_ =	sdelay $0x3  }
0x94: {  	_ =	strace s2  }
0x95: {  	s2 =	sld [smem:$0x3FFD];
	_ =	sdelay $0x3  }
0x96: {  	_ =	strace s2  }
0x97: {  	_ =	strace $0x8FFFFFFF  }
0x98: {  	s18 =	sld [smem:$0x3FDB];
	_ =	sdelay $0x1  }
0x99: {  	s19 =	simm.s32 $_scs_section_size  }
0x9a: {  	s4 =	simm.s32 $_size__tile_overlayer_lowered;
	s5 =	simm.s32 $_tile_overlayer_lowered  }
0x9b: {  	s22 =	simm.s32 $0x1BFF;
	s21 =	sshll.u32 s5, $0x1;
	s2 =	sadd.s32 s19, s18  }
0x9c: {  	s6 =	simm.s32 $0x0;
	s20 =	sshll.u32 s4, $0x1;
	s4 =	sadd.s32 s21, s2  }
0x9d: {  	[timem:s6], [sflag:s22] =	dma.local [hbm:s4], s20  }
0x9e: {  	_ =	swait.ge [sflag:s22], s20  }
0x9f: {  	s3 =	ssub.s32 $0x0, s20;
	[sflag:s22] =	ssyncset.done $0x0  }
0xa0: {  	[sflag:s22] =	ssyncadd.s32 s3;
	_ =	sdelay $0x1  }
0xa1: {  	s23 =	simm.s32 $0x1B8B  }
0xa2: {  	_ =	swait.ge [sflag:s23], $0x1  }
0xa3: {  	[sflag:s23] =	ssyncset.done $0x0  }
0xa4: {  	s25 =	simm.s32 $0x1B8E;
	s24 =	sld [smem:$0x3FFE];
	[sflag:s23] =	ssyncadd.s32 $0xFFFFFFFF  }
0xa5: {  	s26 =	simm.s32 $execute0_lowered;
	[smem:$0x3FD2] =	sst s25  }
0xa6: {  	s4 =	sshll.u32 s26, $0x1;
	_ =	strace $0x80000046;
	[dreg:$0x1] =	wrdreg $0xFFFFFFFF  }
0xa7: {  	s28 =	simm.s32 $_size_execute0_lowered;
	s2 =	sadd.s32 s2, s4;
	[dreg:$0x0] =	wrdreg $0x0  }
0xa8: {  	s4 =	sshll.u32 s28, $0x1;
	[dreg:$0x2] =	wrdreg s2  }
0xa9: {  	[dreg:$0x3] =	wrdreg s4  }
0xaa: {  	[dreg:$0x4] =	wrdreg $0xC0  }
0xab: {  	_ =	task [dreg:s6], $0x5FFFF  }
0xac: {  	[dreg:$0x1] =	wrdreg $0xFFFFFFFF  }
0xad: {  	[dreg:$0x0] =	wrdreg $0x60  }
0xae: {  	[dreg:$0x2] =	wrdreg s24  }
0xaf: {  	[dreg:$0x3] =	wrdreg $0x68000  }
0xb0: {  	[dreg:$0x4] =	wrdreg $0x9  }
0xb1: {  	_ =	task.clear_ibuf [dreg:s6], $0x5FFFF;
	_ =	strace $0x90000046  }
0xb2: {  	s29 =	simm.s32 $0x9;
	_ =	strace $0x80000048  }
0xb3: {  	_ =	swait.ge [sflag:s29], $0x1  }
0xb4: {  	[sflag:s29] =	ssyncadd.s32 $0xFFFFFFFF  }
0xb5: {  	_ =	strace $0x90000048  }
0xb6: {  	_ =	sfence  }
0xb7: {  	s30 =	sld [smem:$0x0];
	_ =	sdelay $0x2  }
0xb8: {  	s31 =	sshll.u32 s1, $0xD;
	s1 =	sshrl.u32 s1, $0x2  }
0xb9: {  	s3 =	sand.u32 $0x4000, s31;
	s1 =	sadd.s32 s1, s30  }
0xba: {  	s0 =	sor.u32 s3, s0;
	s1 =	sshll.u32 s1, $0x11  }
0xbb: {  	s0 =	sor.u32 s1, s0  }
0xbc: {  	s0 =	sadd.s32 $0x8F2B, s0  }
0xbd: {  	[sflag:s0] =	ssyncadd.remote.s32 $0x1  }
0xbe: {  	_ =	sfence.sel $0xFFFF  }
0xbf: {  	[dreg:$0x0] =	wrdreg $0xFFFFFFFF;
	(pc) =	sbr.abs _section_cstart, $3  }
0xc0: {  	[dreg:$0x1] =	wrdreg $0xFFFFFFFF  }
0xc1: {  	_ =	task.clear_ibuf [dreg:s6], $0x2FFFF;
	_ =	strace $0x9FFFFFFF  }
0xc2: {  	(tm) =	ssettm $0x7FFFFFFF  }
0xc3: {  	_ =	shalt  }
tec
execute0_lowered:
.L_overlay_start_1:
0x0: {  	(tag) =	ssettag $0x1  }
0x1: {  	s1 =	srdreg.scid;
	s5 =	rddreg [dreg:$0x0]  }
0x2: {  	s0 =	stileid.u32;
	s2 =	rddreg [dreg:$0x1];
	s3 =	simm.s32 $0x0  }
0x3: {  	s14 =	simm.s32 $0x0;
	s4 =	sand.u32 $0x1, s1;
	s1 =	rddreg [dreg:$0x2]  }
0x4: {  	s25 =	sshll.u32 s0, $0x1;
	s7 =	smul.u32 $0x14000, s0;
	[smem:$0x7FF] =	sst s3  }
0x5: {  	s29 =	smul.u32 $0x50000, s0;
	s31 =	sshll.u32 s0, $0x6;
	s6 =	sor.u32 s4, s25  }
0x6: {  	s9 =	smul.u32 $0x140000, s4;
	_ =	strace $0x80000047;
	s28 =	ssub.s32 $0x2, s4  }
0x7: {  	s4 =	sadd.s32 $0xDE00, s5;
	s6 =	smul.u32 $0x500, s6;
	s8 =	sshrl.u32 s7, $0x3  }
0x8: {  	s11 =	sshrl.u32 s28, $0x1;
	s30 =	sshrl.u32 s29, $0x2;
	s26 =	sadd.s32 s8, s5  }
0x9: {  	s7 =	sadd.s32 s7, s9;
	s11 =	ssub.s32 s28, s11;
	s13 =	sadd.s32 s30, s2  }
0xa: {  	s10 =	sadd.s32 s6, s5;
	s7 =	sshrl.u32 s7, $0x3;
	s6 =	sor.u32 $0x1C01, s31  }
0xb: {  	s9 =	smax.u32 s11, $0x1;
	s11 =	simm.s32 $0x1;
	s12 =	sadd.s32 s7, s5  }
0xc: {  	s5 =	sadd.s32 $0xE600, s26;
	s7 =	sadd.s32 $0x3E00, s10;
	s10 =	sshrl.u32 s13, $0x3  }
0xd: {  	s13 =	simm.s32 $0x80;
	s8 =	sadd.s32 $0x36600, s12;
	s12 =	simm.s32 $0x2800  }
.LBB2_1:
0xe: {  	[spmem:s10], [sflag:s6] =	dma.local [hbm:s5], $0x2800  }
0xf: {  	_ =	swait.ge [sflag:s11], $0x2800  }
0x10: {  	[sflag:s11] =	ssyncset.done $0x0  }
0x11: {  	[sflag:s11] =	ssyncadd.s32 $0xFFFFD800  }
0x12: {  	[tilespmem:s3], [sflag:$0x1] =	stream.linear.gather [hbm4b:s7+s3], $0x2800, $0x38;
	[tilespmem:$0x1A800] =	vst v63  }
0x13: {  	_ =	swait.ge [sflag:s11], $0x2800  }
0x14: {  	[sflag:s11] =	ssyncset.done $0x0  }
0x15: {  	[sflag:s11] =	ssyncadd.s32 $0xFFFFD800  }
0x16: {  	[tilespmem:s12], [sflag:$0x1] =	stream.linear.gather [hbm4b:s4+s3], $0x4000, $0x38;
	[tilespmem:$0x1A800] =	vst v63  }
0x17: {  	_ =	swait.ge [sflag:s11], $0x4000  }
0x18: {  	[sflag:s11] =	ssyncset.done $0x0  }
0x19: {  	[sflag:s11] =	ssyncadd.s32 $0xFFFFC000  }
0x1a: {  	s15 =	simm.s32 $0x0;
	[bflag:$0x0] =	sbarrier.arrive $0xFFFF  }
0x1b: {  	[spmem:s2] =	stream.indirect.scatter.add.f32 [tilespmem:s12], [sflag:$0x1], $0x80, s15, s13, $0xb8;
	[tilespmem:$0x1A800] =	vst v63  }
0x1c: {  	_ =	swait.ge [sflag:s11], $0x4000  }
0x1d: {  	[sflag:s11] =	ssyncset.done $0x0  }
0x1e: {  	s31 =	simm.s32 $0x80;
	[sflag:s11] =	ssyncadd.s32 $0xFFFFC000  }
0x1f: {  	[spmem:s2] =	stream.indirect.scatter.add.f32 [tilespmem:s12], [sflag:$0x1], $0x80, s31, s13, $0xb8;
	[tilespmem:$0x1A800] =	vst v63  }
0x20: {  	_ =	swait.ge [sflag:s11], $0x4000  }
0x21: {  	s16 =	simm.s32 $0x800;
	s15 =	simm.s32 $0x400;
	[sflag:s11] =	ssyncset.done $0x0  }
.LBB2_2:
0x22: {  	s17 =	sshra.s32 s15, $0x2  }
0x23: {  	[sflag:s11] =	ssyncadd.s32 $0xFFFFC000;
	s15 =	smov.u32 s16;
	s18 =	sadd.s32 $0x400, s16  }
0x24: {  	[spmem:s2] =	stream.indirect.scatter.add.f32 [tilespmem:s12], [sflag:$0x1], $0x80, s17, s13, $0xb8;
	[tilespmem:$0x1A800] =	vst v63  }
0x25: {  	p0 =	sne.s32 s16, $0x9C00;
	_ =	swait.ge [sflag:s11], $0x4000  }
.Ltmp0:
0x26: {  	[sflag:s11] =	ssyncset.done $0x0;
	(pc) =	sbr.rel @p0 .LBB2_2-.Ltmp0, $4  }
0x27: {  	s16 =	sadd.s32 $0x80, s17;
	[sflag:s11] =	ssyncadd.s32 $0xFFFFC000  }
0x28: {  	[spmem:s2] =	stream.indirect.scatter.add.f32 [tilespmem:s12], [sflag:$0x1], $0x80, s16, s13, $0xb8;
	[tilespmem:$0x1A800] =	vst v63  }
0x29: {  	_ =	swait.ge [sflag:s11], $0x4000  }
0x2a: {  	s16 =	smov.u32 s18;
	[sflag:s11] =	ssyncset.done $0x0  }
0x2b: {  	s15 =	sshra.s32 s15, $0x2;
	[sflag:s11] =	ssyncadd.s32 $0xFFFFC000  }
0x2c: {  	[spmem:s2] =	stream.indirect.scatter.add.f32 [tilespmem:s12], [sflag:$0x1], $0x80, s15, s13, $0xb8;
	[tilespmem:$0x1A800] =	vst v63  }
0x2d: {  	_ =	swait.ge [sflag:s11], $0x4000  }
0x2e: {  	[sflag:s11] =	ssyncset.done $0x0  }
0x2f: {  	s15 =	sadd.s32 $0x80, s15;
	[sflag:s11] =	ssyncadd.s32 $0xFFFFC000  }
0x30: {  	[spmem:s2] =	stream.indirect.scatter.add.f32 [tilespmem:s12], [sflag:$0x1], $0x80, s15, s13, $0xb8;
	[tilespmem:$0x1A800] =	vst v63  }
0x31: {  	_ =	swait.ge [sflag:s11], $0x4000  }
0x32: {  	s14 =	sadd.s32 $0x1, s14;
	[sflag:s11] =	ssyncset.done $0x0  }
0x33: {  	p0 =	sne.s32 s14, s9;
	[sflag:s11] =	ssyncadd.s32 $0xFFFFC000  }
.Ltmp1:
0x34: {  	[bflag:$0x0] =	sbarrier.arrive $0xFFFF;
	(pc) =	sbr.rel @p0 .LBB2_1-.Ltmp1, $4  }
0x35: {  	[hbm:s8], [sflag:s6] =	dma.local [spmem:s10], $0x2800  }
0x36: {  	_ =	swait.ge [sflag:s11], $0x2800  }
0x37: {  	[sflag:s11] =	ssyncset.done $0x0  }
0x38: {  	[sflag:s11] =	ssyncadd.s32 $0xFFFFD800  }
0x39: {  	_ =	sfence.sel $0x180000  }
0x3a: {  	[bflag:$0x0] =	sbarrier.arrive $0xFFFF  }
0x3b: {  	p0 =	sne.s32 s0, $0x0;
	_ =	strace $0x90000047  }
0x3c: {  	s0 =	sadd.s32 @!p0 $0x100000, s1;
	[bflag:$0x2] =	sbarrier.arrive $0xFFFF  }
0x3d: {  	[sflag:s0] =	ssyncadd.tile.s32 @!p0 $0x1;
	_ =	shalt  }
.Lfunc_end2:
_tile_overlayer_lowered:
.L_overlay_start_2:
0x3e: {  	(tag) =	ssettag $0x2  }
0x3f: {  	s0 =	rddreg [dreg:$0x0];
	s2 =	stileid.u32  }
0x40: {  	s1 =	rddreg [dreg:$0x1];
	p0 =	sne.s32 s2, $0x0  }
0x41: {  	s3 =	rddreg [dreg:$0x2];
	[bflag:$0x3] =	sbarrier.arrive $0xFFFF;
	s2 =	simm.s32 @!p0 $0x1C01  }
0x42: {  	[timem:s3], [sflag:s2] =	dma.local @!p0 [hbm:s0], s1  }
0x43: {  	s0 =	simm.s32 @!p0 $0x1  }
0x44: {  	_ =	swait.ge @!p0 [sflag:s0], s1  }
0x45: {  	s1 =	ssub.s32 @!p0 $0x0, s1;
	[sflag:s0] =	ssyncset.done @!p0 $0x0  }
0x46: {  	[sflag:s0] =	ssyncadd.s32 @!p0 s1  }
0x47: {  	[bflag:$0x3] =	sbarrier.arrive $0xFFFF  }
0x48: {  	_ =	shalt  }

// kernel: kernel.13.cloned.1.call-start
scs
__scs_entry_jumppad:
0x0: {  	(pc) =	sbr.rel $0x88, $3  }
0x1: {  	(tag) =	ssettag $0x0;
	lr =	simm.s32 $0x1  }
0x2: {  	[smem:$0x3F99] =	sst lr;
	_ =	strace $0xD0000000  }
0x3: {  	_ = 	snop  }
0x4: {  	_ = 	snop  }
0x5: {  	_ = 	snop  }
0x6: {  	_ = 	snop  }
0x7: {  	_ = 	snop  }
__scs_overlays_trampoline_lowered:
0x8: {  	[smem:$0x3FA8] =	sst s0  }
0x9: {  	[smem:$0x3FA9] =	sst s1  }
0xa: {  	[smem:$0x3FAA] =	sst s2  }
0xb: {  	[smem:$0x3FAB] =	sst s3  }
0xc: {  	[smem:$0x3FAC] =	sst s4  }
0xd: {  	[smem:$0x3FAD] =	sst s5  }
0xe: {  	[smem:$0x3FAE] =	sst s6  }
0xf: {  	[smem:$0x3FAF] =	sst s7  }
0x10: {  	[smem:$0x3FB0] =	sst s8  }
0x11: {  	[smem:$0x3FB1] =	sst s9;
	s0 =	simm.s32 @!p0 $0x0  }
0x12: {  	s1 =	sld [smem:$0x3F97];
	s0 =	simm.s32 @p0 $0x1  }
0x13: {  	[smem:$0x3FB2] =	sst s0;
	s0 =	simm.s32 @!p1 $0x0  }
0x14: {  	s2 =	sld [smem:$0x3F96];
	s0 =	simm.s32 @p1 $0x1  }
0x15: {  	[smem:$0x3FB3] =	sst s0;
	s0 =	simm.s32 @!p2 $0x0  }
0x16: {  	s3 =	sld [smem:$0x3FDB];
	s0 =	simm.s32 @p2 $0x1  }
0x17: {  	s4 =	simm.s32 $0x1BF5;
	[smem:$0x3FB5] =	sst s0  }
0x18: {  	s0 =	sld [smem:$0x3F98];
	_ =	swait.ge [sflag:s4], $0x0  }
0x19: {  	s7 =	sld [smem:$0x3F99]  }
0x1a: {  	s8 =	sadd.s32 $0xFFFFE003, lr  }
0x1b: {  	s9 =	sadd.s32 $0xFFFFFEF7, lr;
	s5 =	simm.s32 $0xFFFFFFFF;
	p2 =	slt.u32 s8, $0xFFFFF086  }
0x1c: {  	p1 =	slt.u32 s9, $0xF7A;
	s5 =	simm.s32 @!p2 $0x0  }
0x1d: {  	s5 =	simm.s32 @p1 $0x1;
	p0 =	seq.s32 s7, s2  }
0x1e: {  	s7 =	smul.u32 @!p0 $0xF7A, s2;
	p2 =	seq.s32 @!p0 s5, $0x0  }
0x1f: {  	s9 =	smul.u32 $0xF7A, s1;
	s8 =	simm.s32 @!p0 $0x1BF5;
	p2 =	por !p2, p0  }
0x20: {  	[sflag:s8] =	ssyncset.s32 @!p0 $0xFFFFF086;
	s6 =	sadd.s32 @!p0 s3, s7;
	s7 =	simm.s32 @!p0 $0x108  }
0x21: {  	s3 =	sadd.s32 s3, s9;
	s6 =	sadd.s32 @!p0 $0x88, s6;
	s7 =	simm.s32 @p2 $0x1082  }
0x22: {  	[simem:s7], [sflag:s8] =	dma.local @!p0 [hbm:s6], $0xF7A  }
0x23: {  	s9 =	sor.u32 $0xD0000000, s2;
	s6 =	simm.s32 $0x108;
	_ =	swait.ge @!p0 [sflag:s8], $0x0  }
0x24: {  	s3 =	sadd.s32 $0x88, s3;
	s6 =	simm.s32 @!p1 $0x1082;
	[sflag:s4] =	ssyncset.s32 $0xFFFFF086  }
0x25: {  	[simem:s6], [sflag:s4] =	dma.local [hbm:s3], $0xF7A  }
0x26: {  	[smem:$0x3F99] =	sst s1;
	(tag) =	ssettag s2;
	_ =	strace s9  }
0x27: {  	s1 =	sld [smem:$0x3FA9]  }
0x28: {  	s2 =	sld [smem:$0x3FAA]  }
0x29: {  	s4 =	sld [smem:$0x3FAC]  }
0x2a: {  	p0 =	seq.s32 s5, $0x0;
	s5 =	sld [smem:$0x3FAD]  }
0x2b: {  	s6 =	sld [smem:$0x3FAE]  }
0x2c: {  	s7 =	sld [smem:$0x3FAF]  }
0x2d: {  	s3 =	simm.s32 $0x108;
	s8 =	sld [smem:$0x3FB0]  }
0x2e: {  	s3 =	simm.s32 @!p0 $0x1082;
	s9 =	sld [smem:$0x3FB1]  }
0x2f: {  	lr =	sadd.s32 s0, s3;
	s0 =	sld [smem:$0x3FA8]  }
0x30: {  	s3 =	sld [smem:$0x3FAB]  }
0x31: {  	[smem:$0x3FB4] =	sst s10  }
0x32: {  	s10 =	sld [smem:$0x3FB2];
	_ =	sdelay $0x3  }
0x33: {  	p0 =	seq.s32 s10, $0x1;
	s10 =	sld [smem:$0x3FB4];
	_ =	sdelay $0x3  }
0x34: {  	[smem:$0x3FB4] =	sst s10  }
0x35: {  	s10 =	sld [smem:$0x3FB3];
	_ =	sdelay $0x3  }
0x36: {  	p1 =	seq.s32 s10, $0x1;
	s10 =	sld [smem:$0x3FB4];
	_ =	sdelay $0x3  }
0x37: {  	[smem:$0x3FB4] =	sst s10  }
0x38: {  	s10 =	sld [smem:$0x3FB5]  }
0x39: {  	_ = 	snop;
	(pc) =	sbr.ind lr, $3  }
0x3a: {  	_ = 	snop  }
0x3b: {  	_ = 	snop  }
0x3c: {  	p2 =	seq.s32 s10, $0x1;
	s10 =	sld [smem:$0x3FB4]  }
0x3d: {  	_ =	shalt  }
0x3e: {  	_ =	shalt  }
0x3f: {  	_ =	shalt  }
0x40: {  	_ =	shalt  }
0x41: {  	_ =	shalt  }
0x42: {  	_ =	shalt  }
0x43: {  	_ =	shalt  }
0x44: {  	_ =	shalt  }
0x45: {  	_ =	shalt  }
0x46: {  	_ =	shalt  }
0x47: {  	_ =	shalt  }
0x48: {  	_ =	shalt  }
0x49: {  	_ =	shalt  }
0x4a: {  	_ =	shalt  }
0x4b: {  	_ =	shalt  }
0x4c: {  	_ =	shalt  }
0x4d: {  	_ =	shalt  }
0x4e: {  	_ =	shalt  }
0x4f: {  	_ =	shalt  }
0x50: {  	_ =	shalt  }
0x51: {  	_ =	shalt  }
0x52: {  	_ =	shalt  }
0x53: {  	_ =	shalt  }
0x54: {  	_ =	shalt  }
0x55: {  	_ =	shalt  }
0x56: {  	_ =	shalt  }
0x57: {  	_ =	shalt  }
0x58: {  	_ =	shalt  }
0x59: {  	_ =	shalt  }
0x5a: {  	_ =	shalt  }
0x5b: {  	_ =	shalt  }
0x5c: {  	_ =	shalt  }
0x5d: {  	_ =	shalt  }
0x5e: {  	_ =	shalt  }
0x5f: {  	_ =	shalt  }
0x60: {  	_ =	shalt  }
0x61: {  	_ =	shalt  }
0x62: {  	_ =	shalt  }
0x63: {  	_ =	shalt  }
0x64: {  	_ =	shalt  }
0x65: {  	_ =	shalt  }
0x66: {  	_ =	shalt  }
0x67: {  	_ =	shalt  }
0x68: {  	_ =	shalt  }
0x69: {  	_ =	shalt  }
0x6a: {  	_ =	shalt  }
0x6b: {  	_ =	shalt  }
0x6c: {  	_ =	shalt  }
0x6d: {  	_ =	shalt  }
0x6e: {  	_ =	shalt  }
0x6f: {  	_ =	shalt  }
0x70: {  	_ =	shalt  }
0x71: {  	_ =	shalt  }
0x72: {  	_ =	shalt  }
0x73: {  	_ =	shalt  }
0x74: {  	_ =	shalt  }
0x75: {  	_ =	shalt  }
0x76: {  	_ =	shalt  }
0x77: {  	_ =	shalt  }
0x78: {  	_ =	shalt  }
0x79: {  	_ =	shalt  }
0x7a: {  	_ =	shalt  }
0x7b: {  	_ =	shalt  }
0x7c: {  	_ =	shalt  }
0x7d: {  	_ =	shalt  }
0x7e: {  	_ =	shalt  }
0x7f: {  	_ =	shalt  }
0x80: {  	_ =	shalt  }
0x81: {  	_ =	shalt  }
0x82: {  	_ =	shalt  }
0x83: {  	_ =	shalt  }
0x84: {  	_ =	shalt  }
0x85: {  	_ =	shalt  }
0x86: {  	_ =	shalt  }
0x87: {  	_ =	shalt  }
.Lfunc_end0:
.L_simem_size_0:
called_computation.1_lowered:
.L_overlay_start_0:
0x88: {  	s2 =	sld [smem:$0x3FD9]  }
0x89: {  	s3 =	sld [smem:$0x3FFE];
	_ =	sdelay $0x1  }
0x8a: {  	s1 =	srdreg.scid  }
0x8b: {  	s0 =	sand.u32 $0x1, s1  }
0x8c: {  	s17 =	sshll.u32 s0, $0xA;
	s2 =	sadd.s32 s3, s2  }
0x8d: {  	s2 =	sadd.s32 s2, s17  }
0x8e: {  	[smem:$0x3FC0] =	sst s2  }
0x8f: {  	_ = 	snop  }
0x90: {  	s2 =	sld [smem:$0x3FD0];
	(tm) =	ssettm $0x1  }
0x91: {  	s18 =	sld [smem:$0x3FFB];
	_ =	sdelay $0x3  }
0x92: {  	_ =	strace s18  }
0x93: {  	s3 =	sld [smem:$0x3FFC];
	_ =	sdelay $0x3  }
0x94: {  	_ =	strace s3  }
0x95: {  	s3 =	sld [smem:$0x3FFD];
	_ =	sdelay $0x3  }
0x96: {  	_ =	strace s3  }
0x97: {  	_ =	strace $0x8FFFFFFF  }
0x98: {  	s19 =	sld [smem:$0x3FDB];
	_ =	sdelay $0x1  }
0x99: {  	s4 =	simm.s32 $_scs_section_size  }
0x9a: {  	s5 =	simm.s32 $_size__tile_overlayer_lowered;
	s6 =	simm.s32 $_tile_overlayer_lowered  }
0x9b: {  	s22 =	simm.s32 $0x1BFF;
	s21 =	sshll.u32 s6, $0x1;
	s3 =	sadd.s32 s4, s19  }
0x9c: {  	s7 =	simm.s32 $0x0;
	s20 =	sshll.u32 s5, $0x1;
	s5 =	sadd.s32 s21, s3  }
0x9d: {  	[timem:s7], [sflag:s22] =	dma.local [hbm:s5], s20  }
0x9e: {  	_ =	swait.ge [sflag:s22], s20  }
0x9f: {  	s4 =	ssub.s32 $0x0, s20;
	[sflag:s22] =	ssyncset.done $0x0  }
0xa0: {  	[sflag:s22] =	ssyncadd.s32 s4;
	_ =	sdelay $0x1  }
0xa1: {  	s23 =	simm.s32 $0x1B8B  }
0xa2: {  	_ =	swait.ge [sflag:s23], $0x1  }
0xa3: {  	[sflag:s23] =	ssyncset.done $0x0  }
0xa4: {  	s25 =	simm.s32 $0x1B8E;
	s24 =	sld [smem:$0x3FFE];
	[sflag:s23] =	ssyncadd.s32 $0xFFFFFFFF  }
0xa5: {  	s26 =	simm.s32 $execute0_lowered;
	[smem:$0x3FD2] =	sst s25  }
0xa6: {  	s5 =	sshll.u32 s26, $0x1;
	_ =	strace $0x80000049;
	[dreg:$0x1] =	wrdreg $0xFFFFFFFF  }
0xa7: {  	s28 =	simm.s32 $_size_execute0_lowered;
	s3 =	sadd.s32 s3, s5;
	[dreg:$0x0] =	wrdreg $0x0  }
0xa8: {  	s5 =	sshll.u32 s28, $0x1;
	[dreg:$0x2] =	wrdreg s3  }
0xa9: {  	[dreg:$0x3] =	wrdreg s5  }
0xaa: {  	[dreg:$0x4] =	wrdreg $0xC0  }
0xab: {  	_ =	task [dreg:s7], $0x5FFFF  }
0xac: {  	[dreg:$0x1] =	wrdreg $0xFFFFFFFF  }
0xad: {  	[dreg:$0x0] =	wrdreg $0x60  }
0xae: {  	[dreg:$0x2] =	wrdreg s24  }
0xaf: {  	[dreg:$0x3] =	wrdreg s2  }
0xb0: {  	[dreg:$0x4] =	wrdreg $0xA8000  }
0xb1: {  	[dreg:$0x5] =	wrdreg $0x9  }
0xb2: {  	_ =	task.clear_ibuf [dreg:s7], $0x6FFFF;
	_ =	strace $0x90000049  }
0xb3: {  	s29 =	simm.s32 $0x9;
	_ =	strace $0x8000004B  }
0xb4: {  	_ =	swait.ge [sflag:s29], $0x1  }
0xb5: {  	[sflag:s29] =	ssyncadd.s32 $0xFFFFFFFF  }
0xb6: {  	_ =	strace $0x9000004B  }
0xb7: {  	_ =	sfence  }
0xb8: {  	s30 =	sld [smem:$0x0];
	_ =	sdelay $0x2  }
0xb9: {  	s31 =	sshll.u32 s1, $0xD;
	s1 =	sshrl.u32 s1, $0x2  }
0xba: {  	s3 =	sand.u32 $0x4000, s31;
	s1 =	sadd.s32 s1, s30  }
0xbb: {  	s0 =	sor.u32 s3, s0;
	s1 =	sshll.u32 s1, $0x11  }
0xbc: {  	s0 =	sor.u32 s1, s0  }
0xbd: {  	s0 =	sadd.s32 $0x8F2B, s0  }
0xbe: {  	[sflag:s0] =	ssyncadd.remote.s32 $0x1  }
0xbf: {  	_ =	sfence.sel $0xFFFF  }
0xc0: {  	[dreg:$0x0] =	wrdreg $0xFFFFFFFF;
	(pc) =	sbr.abs _section_cstart, $3  }
0xc1: {  	[dreg:$0x1] =	wrdreg $0xFFFFFFFF  }
0xc2: {  	_ =	task.clear_ibuf [dreg:s7], $0x2FFFF;
	_ =	strace $0x9FFFFFFF  }
0xc3: {  	(tm) =	ssettm $0x7FFFFFFF  }
tec
execute0_lowered:
.L_overlay_start_1:
0x0: {  	(tag) =	ssettag $0x1  }
0x1: {  	s5 =	rddreg [dreg:$0x0]  }
0x2: {  	s10 =	rddreg [dreg:$0x1]  }
0x3: {  	s1 =	rddreg [dreg:$0x2]  }
0x4: {  	s0 =	rddreg [dreg:$0x3];
	s3 =	simm.s32 $0x0;
	s2 =	stileid.u32  }
0x5: {  	s6 =	srdreg.scid;
	s16 =	simm.s32 $0x80;
	s17 =	simm.s32 $0x2800  }
0x6: {  	s18 =	simm.s32 $0x1;
	s19 =	simm.s32 $0x6800;
	s20 =	simm.s32 $0x2  }
0x7: {  	s21 =	simm.s32 $0x1380;
	s22 =	simm.s32 $0x2700;
	s23 =	simm.s32 $0x2780  }
0x8: {  	s24 =	simm.s32 $0x0;
	[smem:$0x7FF] =	sst s3;
	s4 =	sadd.s32 $0x36600, s5  }
0x9: {  	s7 =	smul.u32 $0x2800, s2;
	s8 =	sand.u32 $0x1, s6;
	s11 =	sadd.s32 $0x3E00, s5  }
0xa: {  	s9 =	smul.u32 $0x50000, s2;
	s28 =	sshll.u32 s2, $0x1;
	s31 =	sshll.u32 s2, $0x6  }
0xb: {  	_ =	strace $0x8000004A;
	s6 =	ssub.s32 $0x2, s8;
	s30 =	sor.u32 s8, s28  }
0xc: {  	p0 =	seq.s32 s8, $0x1;
	s12 =	sadd.s32 s7, s5;
	s26 =	sshrl.u32 s6, $0x1  }
0xd: {  	s29 =	sshrl.u32 s9, $0x2;
	s15 =	smul.u32 $0x500, s30;
	s13 =	ssub.s32 s6, s26  }
0xe: {  	s14 =	sadd.s32 s29, s1;
	s5 =	sadd.s32 $0xE600, s12;
	s6 =	sor.u32 $0x1C03, s31  }
0xf: {  	s7 =	smax.u32 s13, $0x1;
	s8 =	sadd.s32 s10, s15;
	s13 =	simm.s32 $0x86600  }
0x10: {  	s9 =	sadd.s32 s11, s15;
	s15 =	sadd.s32 $0x280, s15;
	s13 =	simm.s32 @!p0 $0x5E600  }
0x11: {  	s10 =	sadd.s32 s10, s15;
	s11 =	sadd.s32 s11, s15;
	s15 =	simm.s32 $0x1400  }
0x12: {  	s12 =	sadd.s32 s13, s12;
	s13 =	sshrl.u32 s14, $0x3;
	s14 =	simm.s32 $0x3  }
.LBB2_1:
0x13: {  	[spmem:s13], [sflag:s6] =	dma.local [hbm:s5], $0x2800  }
0x14: {  	_ =	swait.ge [sflag:s14], $0x2800  }
0x15: {  	[sflag:s14] =	ssyncset.done $0x0  }
0x16: {  	[sflag:s14] =	ssyncadd.s32 $0xFFFFD800  }
0x17: {  	[bflag:$0x0] =	sbarrier.arrive $0xFFFF  }
0x18: {  	[tilespmem:s3], [sflag:$0x3] =	stream.linear.gather [hbm4b:s8+s3], $0x1400, $0x38;
	[tilespmem:$0x1E800] =	vst v63  }
0x19: {  	_ =	swait.ge [sflag:s14], $0x1400  }
0x1a: {  	[sflag:s14] =	ssyncset.done $0x0  }
0x1b: {  	[sflag:s14] =	ssyncadd.s32 $0xFFFFEC00  }
0x1c: {  	[tilespmem:s15], [sflag:$0x3] =	stream.linear.gather [hbm4b:s9+s3], $0x1400, $0x38;
	[tilespmem:$0x1E800] =	vst v63  }
0x1d: {  	_ =	swait.ge [sflag:s14], $0x1400  }
0x1e: {  	[sflag:s14] =	ssyncset.done $0x0  }
0x1f: {  	[sflag:s14] =	ssyncadd.s32 $0xFFFFEC00  }
0x20: {  	[tilespmem:s17], [sflag:$0x1] =	stream.indirect.gather [hbm4b:s4+s16], $0x80, s3, s16, $0xb8;
	[tilespmem:$0x1E800] =	vst v63  }
0x21: {  	_ =	swait.ge [sflag:s18], $0x4000  }
0x22: {  	[sflag:s18] =	ssyncset.done $0x0  }
0x23: {  	s25 =	simm.s32 $0x80;
	[sflag:s18] =	ssyncadd.s32 $0xFFFFC000  }
0x24: {  	[tilespmem:s19], [sflag:$0x2] =	stream.indirect.gather [hbm4b:s4+s16], $0x80, s25, s16, $0xb8;
	[tilespmem:$0x1E800] =	vst v63  }
0x25: {  	s29 =	simm.s32 $0x1400  }
0x26: {  	[spmem:s1] =	stream.indirect.scatter.add.f32 [tilespmem:s17], [sflag:$0x3], $0x80, s29, s16, $0xb8;
	[tilespmem:$0x1E800] =	vst v63  }
0x27: {  	_ =	swait.ge [sflag:s14], $0x4000  }
0x28: {  	[sflag:s14] =	ssyncset.done $0x0  }
0x29: {  	s30 =	simm.s32 $0x100;
	[sflag:s14] =	ssyncadd.s32 $0xFFFFC000  }
0x2a: {  	[tilespmem:s17], [sflag:$0x1] =	stream.indirect.gather [hbm4b:s4+s16], $0x80, s30, s16, $0xb8;
	[tilespmem:$0x1E800] =	vst v63  }
0x2b: {  	_ =	swait.ge [sflag:s20], $0x4000  }
0x2c: {  	[sflag:s20] =	ssyncset.done $0x0  }
0x2d: {  	s31 =	simm.s32 $0x1480;
	[sflag:s20] =	ssyncadd.s32 $0xFFFFC000  }
0x2e: {  	[spmem:s1] =	stream.indirect.scatter.add.f32 [tilespmem:s19], [sflag:$0x3], $0x80, s31, s16, $0xb8;
	[tilespmem:$0x1E800] =	vst v63  }
0x2f: {  	_ =	swait.ge [sflag:s14], $0x4000  }
0x30: {  	s25 =	simm.s32 $0x400;
	[sflag:s14] =	ssyncset.done $0x0  }
.LBB2_2:
0x31: {  	p0 =	sne.s32 s25, $0x4800  }
0x32: {  	[sflag:s14] =	ssyncadd.s32 $0xFFFFC000;
	s26 =	smov.u32 s25;
	s25 =	sadd.s32 $0x400, s25  }
0x33: {  	_ =	swait.ge [sflag:s18], $0x4000  }
0x34: {  	s26 =	sshra.s32 s26, $0x2;
	[sflag:s18] =	ssyncset.done $0x0  }
0x35: {  	s28 =	sadd.s32 $0x80, s26;
	[sflag:s18] =	ssyncadd.s32 $0xFFFFC000  }
0x36: {  	[tilespmem:s19], [sflag:$0x2] =	stream.indirect.gather [hbm4b:s4+s16], $0x80, s28, s16, $0xb8;
	[tilespmem:$0x1E800] =	vst v63  }
0x37: {  	s28 =	sadd.s32 $0x1400, s26  }
0x38: {  	[spmem:s1] =	stream.indirect.scatter.add.f32 [tilespmem:s17], [sflag:$0x3], $0x80, s28, s16, $0xb8;
	[tilespmem:$0x1E800] =	vst v63  }
0x39: {  	_ =	swait.ge [sflag:s14], $0x4000  }
0x3a: {  	[sflag:s14] =	ssyncset.done $0x0  }
0x3b: {  	s28 =	sadd.s32 $0x100, s26;
	[sflag:s14] =	ssyncadd.s32 $0xFFFFC000  }
0x3c: {  	[tilespmem:s17], [sflag:$0x1] =	stream.indirect.gather [hbm4b:s4+s16], $0x80, s28, s16, $0xb8;
	[tilespmem:$0x1E800] =	vst v63  }
0x3d: {  	_ =	swait.ge [sflag:s20], $0x4000  }
.Ltmp0:
0x3e: {  	[sflag:s20] =	ssyncset.done $0x0;
	(pc) =	sbr.rel @p0 .LBB2_2-.Ltmp0, $4  }
0x3f: {  	s26 =	sadd.s32 $0x1480, s26;
	[sflag:s20] =	ssyncadd.s32 $0xFFFFC000  }
0x40: {  	[spmem:s1] =	stream.indirect.scatter.add.f32 [tilespmem:s19], [sflag:$0x3], $0x80, s26, s16, $0xb8;
	[tilespmem:$0x1E800] =	vst v63  }
0x41: {  	_ =	swait.ge [sflag:s14], $0x4000  }
0x42: {  	[sflag:s14] =	ssyncset.done $0x0  }
0x43: {  	[sflag:s14] =	ssyncadd.s32 $0xFFFFC000  }
0x44: {  	_ =	swait.ge [sflag:s18], $0x4000  }
0x45: {  	[sflag:s18] =	ssyncset.done $0x0  }
0x46: {  	[sflag:s18] =	ssyncadd.s32 $0xFFFFC000  }
0x47: {  	[tilespmem:s19], [sflag:$0x2] =	stream.indirect.gather [hbm4b:s4+s16], $0x80, s21, s16, $0xb8;
	[tilespmem:$0x1E800] =	vst v63  }
0x48: {  	_ = 	snop  }
0x49: {  	[spmem:s1] =	stream.indirect.scatter.add.f32 [tilespmem:s17], [sflag:$0x3], $0x80, s22, s16, $0xb8;
	[tilespmem:$0x1E800] =	vst v63  }
0x4a: {  	_ =	swait.ge [sflag:s14], $0x4000  }
0x4b: {  	[sflag:s14] =	ssyncset.done $0x0  }
0x4c: {  	[sflag:s14] =	ssyncadd.s32 $0xFFFFC000  }
0x4d: {  	_ =	swait.ge [sflag:s20], $0x4000  }
0x4e: {  	[sflag:s20] =	ssyncset.done $0x0  }
0x4f: {  	[sflag:s20] =	ssyncadd.s32 $0xFFFFC000  }
0x50: {  	[spmem:s1] =	stream.indirect.scatter.add.f32 [tilespmem:s19], [sflag:$0x3], $0x80, s23, s16, $0xb8;
	[tilespmem:$0x1E800] =	vst v63  }
0x51: {  	_ =	swait.ge [sflag:s14], $0x4000  }
0x52: {  	[sflag:s14] =	ssyncset.done $0x0  }
0x53: {  	s25 =	simm.s32 $0x0;
	[sflag:s14] =	ssyncadd.s32 $0xFFFFC000  }
0x54: {  	[tilespmem:s25], [sflag:$0x3] =	stream.linear.gather [hbm4b:s10+s25], $0x1400, $0x38;
	[tilespmem:$0x1E800] =	vst v63  }
0x55: {  	_ =	swait.ge [sflag:s14], $0x1400  }
0x56: {  	[sflag:s14] =	ssyncset.done $0x0  }
0x57: {  	[sflag:s14] =	ssyncadd.s32 $0xFFFFEC00  }
0x58: {  	[tilespmem:s15], [sflag:$0x3] =	stream.linear.gather [hbm4b:s11+s25], $0x1400, $0x38;
	[tilespmem:$0x1E800] =	vst v63  }
0x59: {  	_ =	swait.ge [sflag:s14], $0x1400  }
0x5a: {  	[sflag:s14] =	ssyncset.done $0x0  }
0x5b: {  	[sflag:s14] =	ssyncadd.s32 $0xFFFFEC00  }
0x5c: {  	[tilespmem:s17], [sflag:$0x1] =	stream.indirect.gather [hbm4b:s4+s16], $0x80, s25, s16, $0xb8;
	[tilespmem:$0x1E800] =	vst v63  }
0x5d: {  	_ =	swait.ge [sflag:s18], $0x4000  }
0x5e: {  	[sflag:s18] =	ssyncset.done $0x0  }
0x5f: {  	s28 =	simm.s32 $0x80;
	[sflag:s18] =	ssyncadd.s32 $0xFFFFC000  }
0x60: {  	[tilespmem:s19], [sflag:$0x2] =	stream.indirect.gather [hbm4b:s4+s16], $0x80, s28, s16, $0xb8;
	[tilespmem:$0x1E800] =	vst v63  }
0x61: {  	s29 =	simm.s32 $0x1400  }
0x62: {  	[spmem:s1] =	stream.indirect.scatter.add.f32 [tilespmem:s17], [sflag:$0x3], $0x80, s29, s16, $0xb8;
	[tilespmem:$0x1E800] =	vst v63  }
0x63: {  	_ =	swait.ge [sflag:s14], $0x4000  }
0x64: {  	[sflag:s14] =	ssyncset.done $0x0  }
0x65: {  	s30 =	simm.s32 $0x100;
	[sflag:s14] =	ssyncadd.s32 $0xFFFFC000  }
0x66: {  	[tilespmem:s17], [sflag:$0x1] =	stream.indirect.gather [hbm4b:s4+s16], $0x80, s30, s16, $0xb8;
	[tilespmem:$0x1E800] =	vst v63  }
0x67: {  	_ =	swait.ge [sflag:s20], $0x4000  }
0x68: {  	[sflag:s20] =	ssyncset.done $0x0  }
0x69: {  	s31 =	simm.s32 $0x1480;
	[sflag:s20] =	ssyncadd.s32 $0xFFFFC000  }
0x6a: {  	[spmem:s1] =	stream.indirect.scatter.add.f32 [tilespmem:s19], [sflag:$0x3], $0x80, s31, s16, $0xb8;
	[tilespmem:$0x1E800] =	vst v63  }
0x6b: {  	_ =	swait.ge [sflag:s14], $0x4000  }
0x6c: {  	s25 =	simm.s32 $0x400;
	[sflag:s14] =	ssyncset.done $0x0  }
.LBB2_4:
0x6d: {  	p0 =	sne.s32 s25, $0x4800  }
0x6e: {  	[sflag:s14] =	ssyncadd.s32 $0xFFFFC000;
	s26 =	smov.u32 s25;
	s25 =	sadd.s32 $0x400, s25  }
0x6f: {  	_ =	swait.ge [sflag:s18], $0x4000  }
0x70: {  	s26 =	sshra.s32 s26, $0x2;
	[sflag:s18] =	ssyncset.done $0x0  }
0x71: {  	s28 =	sadd.s32 $0x80, s26;
	[sflag:s18] =	ssyncadd.s32 $0xFFFFC000  }
0x72: {  	[tilespmem:s19], [sflag:$0x2] =	stream.indirect.gather [hbm4b:s4+s16], $0x80, s28, s16, $0xb8;
	[tilespmem:$0x1E800] =	vst v63  }
0x73: {  	s28 =	sadd.s32 $0x1400, s26  }
0x74: {  	[spmem:s1] =	stream.indirect.scatter.add.f32 [tilespmem:s17], [sflag:$0x3], $0x80, s28, s16, $0xb8;
	[tilespmem:$0x1E800] =	vst v63  }
0x75: {  	_ =	swait.ge [sflag:s14], $0x4000  }
0x76: {  	[sflag:s14] =	ssyncset.done $0x0  }
0x77: {  	s28 =	sadd.s32 $0x100, s26;
	[sflag:s14] =	ssyncadd.s32 $0xFFFFC000  }
0x78: {  	[tilespmem:s17], [sflag:$0x1] =	stream.indirect.gather [hbm4b:s4+s16], $0x80, s28, s16, $0xb8;
	[tilespmem:$0x1E800] =	vst v63  }
0x79: {  	_ =	swait.ge [sflag:s20], $0x4000  }
.Ltmp1:
0x7a: {  	[sflag:s20] =	ssyncset.done $0x0;
	(pc) =	sbr.rel @p0 .LBB2_4-.Ltmp1, $4  }
0x7b: {  	s26 =	sadd.s32 $0x1480, s26;
	[sflag:s20] =	ssyncadd.s32 $0xFFFFC000  }
0x7c: {  	[spmem:s1] =	stream.indirect.scatter.add.f32 [tilespmem:s19], [sflag:$0x3], $0x80, s26, s16, $0xb8;
	[tilespmem:$0x1E800] =	vst v63  }
0x7d: {  	_ =	swait.ge [sflag:s14], $0x4000  }
0x7e: {  	[sflag:s14] =	ssyncset.done $0x0  }
0x7f: {  	[sflag:s14] =	ssyncadd.s32 $0xFFFFC000  }
0x80: {  	_ =	swait.ge [sflag:s18], $0x4000  }
0x81: {  	[sflag:s18] =	ssyncset.done $0x0  }
0x82: {  	[sflag:s18] =	ssyncadd.s32 $0xFFFFC000  }
0x83: {  	[tilespmem:s19], [sflag:$0x2] =	stream.indirect.gather [hbm4b:s4+s16], $0x80, s21, s16, $0xb8;
	[tilespmem:$0x1E800] =	vst v63  }
0x84: {  	_ = 	snop  }
0x85: {  	[spmem:s1] =	stream.indirect.scatter.add.f32 [tilespmem:s17], [sflag:$0x3], $0x80, s22, s16, $0xb8;
	[tilespmem:$0x1E800] =	vst v63  }
0x86: {  	_ =	swait.ge [sflag:s14], $0x4000  }
0x87: {  	[sflag:s14] =	ssyncset.done $0x0  }
0x88: {  	[sflag:s14] =	ssyncadd.s32 $0xFFFFC000  }
0x89: {  	_ =	swait.ge [sflag:s20], $0x4000  }
0x8a: {  	[sflag:s20] =	ssyncset.done $0x0  }
0x8b: {  	[sflag:s20] =	ssyncadd.s32 $0xFFFFC000  }
0x8c: {  	[spmem:s1] =	stream.indirect.scatter.add.f32 [tilespmem:s19], [sflag:$0x3], $0x80, s23, s16, $0xb8;
	[tilespmem:$0x1E800] =	vst v63  }
0x8d: {  	_ =	swait.ge [sflag:s14], $0x4000  }
0x8e: {  	s24 =	sadd.s32 $0x1, s24;
	[sflag:s14] =	ssyncset.done $0x0  }
0x8f: {  	p0 =	sne.s32 s24, s7;
	[sflag:s14] =	ssyncadd.s32 $0xFFFFC000  }
.Ltmp2:
0x90: {  	[bflag:$0x0] =	sbarrier.arrive $0xFFFF;
	(pc) =	sbr.rel @p0 .LBB2_1-.Ltmp2, $4  }
0x91: {  	[hbm:s12], [sflag:s6] =	dma.local [spmem:s13], $0x2800  }
0x92: {  	_ =	swait.ge [sflag:s14], $0x2800  }
0x93: {  	[sflag:s14] =	ssyncset.done $0x0  }
0x94: {  	[sflag:s14] =	ssyncadd.s32 $0xFFFFD800  }
0x95: {  	_ =	sfence.sel $0x180000  }
0x96: {  	[bflag:$0x0] =	sbarrier.arrive $0xFFFF  }
0x97: {  	p0 =	sne.s32 s2, $0x0;
	_ =	strace $0x9000004A  }
0x98: {  	s0 =	sadd.s32 @!p0 $0x100000, s0;
	[bflag:$0x2] =	sbarrier.arrive $0xFFFF  }
0x99: {  	[sflag:s0] =	ssyncadd.tile.s32 @!p0 $0x1;
	_ =	shalt  }
.Lfunc_end2:
_tile_overlayer_lowered:
.L_overlay_start_2:
0x9a: {  	(tag) =	ssettag $0x2  }
0x9b: {  	s0 =	rddreg [dreg:$0x0];
	s2 =	stileid.u32  }
0x9c: {  	s1 =	rddreg [dreg:$0x1];
	p0 =	sne.s32 s2, $0x0  }
0x9d: {  	s3 =	rddreg [dreg:$0x2];
	[bflag:$0x3] =	sbarrier.arrive $0xFFFF;
	s2 =	simm.s32 @!p0 $0x1C03  }
0x9e: {  	[timem:s3], [sflag:s2] =	dma.local @!p0 [hbm:s0], s1  }
0x9f: {  	s0 =	simm.s32 @!p0 $0x3  }
0xa0: {  	_ =	swait.ge @!p0 [sflag:s0], s1  }
0xa1: {  	s1 =	ssub.s32 @!p0 $0x0, s1;
	[sflag:s0] =	ssyncset.done @!p0 $0x0  }
0xa2: {  	[sflag:s0] =	ssyncadd.s32 @!p0 s1  }
0xa3: {  	[bflag:$0x3] =	sbarrier.arrive $0xFFFF  }
0xa4: {  	_ =	shalt  }

// kernel: kernel.16.cloned.1.call-start
scs
__scs_entry_jumppad:
0x0: {  	(pc) =	sbr.rel $0x88, $3  }
0x1: {  	(tag) =	ssettag $0x0;
	lr =	simm.s32 $0x1  }
0x2: {  	[smem:$0x3F99] =	sst lr;
	_ =	strace $0xD0000000  }
0x3: {  	_ = 	snop  }
0x4: {  	_ = 	snop  }
0x5: {  	_ = 	snop  }
0x6: {  	_ = 	snop  }
0x7: {  	_ = 	snop  }
__scs_overlays_trampoline_lowered:
0x8: {  	[smem:$0x3FA8] =	sst s0  }
0x9: {  	[smem:$0x3FA9] =	sst s1  }
0xa: {  	[smem:$0x3FAA] =	sst s2  }
0xb: {  	[smem:$0x3FAB] =	sst s3  }
0xc: {  	[smem:$0x3FAC] =	sst s4  }
0xd: {  	[smem:$0x3FAD] =	sst s5  }
0xe: {  	[smem:$0x3FAE] =	sst s6  }
0xf: {  	[smem:$0x3FAF] =	sst s7  }
0x10: {  	[smem:$0x3FB0] =	sst s8  }
0x11: {  	[smem:$0x3FB1] =	sst s9;
	s0 =	simm.s32 @!p0 $0x0  }
0x12: {  	s1 =	sld [smem:$0x3F97];
	s0 =	simm.s32 @p0 $0x1  }
0x13: {  	[smem:$0x3FB2] =	sst s0;
	s0 =	simm.s32 @!p1 $0x0  }
0x14: {  	s2 =	sld [smem:$0x3F96];
	s0 =	simm.s32 @p1 $0x1  }
0x15: {  	[smem:$0x3FB3] =	sst s0;
	s0 =	simm.s32 @!p2 $0x0  }
0x16: {  	s3 =	sld [smem:$0x3FDB];
	s0 =	simm.s32 @p2 $0x1  }
0x17: {  	s4 =	simm.s32 $0x1BF5;
	[smem:$0x3FB5] =	sst s0  }
0x18: {  	s0 =	sld [smem:$0x3F98];
	_ =	swait.ge [sflag:s4], $0x0  }
0x19: {  	s7 =	sld [smem:$0x3F99]  }
0x1a: {  	s8 =	sadd.s32 $0xFFFFE003, lr  }
0x1b: {  	s9 =	sadd.s32 $0xFFFFFEF7, lr;
	s5 =	simm.s32 $0xFFFFFFFF;
	p2 =	slt.u32 s8, $0xFFFFF086  }
0x1c: {  	p1 =	slt.u32 s9, $0xF7A;
	s5 =	simm.s32 @!p2 $0x0  }
0x1d: {  	s5 =	simm.s32 @p1 $0x1;
	p0 =	seq.s32 s7, s2  }
0x1e: {  	s7 =	smul.u32 @!p0 $0xF7A, s2;
	p2 =	seq.s32 @!p0 s5, $0x0  }
0x1f: {  	s9 =	smul.u32 $0xF7A, s1;
	s8 =	simm.s32 @!p0 $0x1BF5;
	p2 =	por !p2, p0  }
0x20: {  	[sflag:s8] =	ssyncset.s32 @!p0 $0xFFFFF086;
	s6 =	sadd.s32 @!p0 s3, s7;
	s7 =	simm.s32 @!p0 $0x108  }
0x21: {  	s3 =	sadd.s32 s3, s9;
	s6 =	sadd.s32 @!p0 $0x88, s6;
	s7 =	simm.s32 @p2 $0x1082  }
0x22: {  	[simem:s7], [sflag:s8] =	dma.local @!p0 [hbm:s6], $0xF7A  }
0x23: {  	s9 =	sor.u32 $0xD0000000, s2;
	s6 =	simm.s32 $0x108;
	_ =	swait.ge @!p0 [sflag:s8], $0x0  }
0x24: {  	s3 =	sadd.s32 $0x88, s3;
	s6 =	simm.s32 @!p1 $0x1082;
	[sflag:s4] =	ssyncset.s32 $0xFFFFF086  }
0x25: {  	[simem:s6], [sflag:s4] =	dma.local [hbm:s3], $0xF7A  }
0x26: {  	[smem:$0x3F99] =	sst s1;
	(tag) =	ssettag s2;
	_ =	strace s9  }
0x27: {  	s1 =	sld [smem:$0x3FA9]  }
0x28: {  	s2 =	sld [smem:$0x3FAA]  }
0x29: {  	s4 =	sld [smem:$0x3FAC]  }
0x2a: {  	p0 =	seq.s32 s5, $0x0;
	s5 =	sld [smem:$0x3FAD]  }
0x2b: {  	s6 =	sld [smem:$0x3FAE]  }
0x2c: {  	s7 =	sld [smem:$0x3FAF]  }
0x2d: {  	s3 =	simm.s32 $0x108;
	s8 =	sld [smem:$0x3FB0]  }
0x2e: {  	s3 =	simm.s32 @!p0 $0x1082;
	s9 =	sld [smem:$0x3FB1]  }
0x2f: {  	lr =	sadd.s32 s0, s3;
	s0 =	sld [smem:$0x3FA8]  }
0x30: {  	s3 =	sld [smem:$0x3FAB]  }
0x31: {  	[smem:$0x3FB4] =	sst s10  }
0x32: {  	s10 =	sld [smem:$0x3FB2];
	_ =	sdelay $0x3  }
0x33: {  	p0 =	seq.s32 s10, $0x1;
	s10 =	sld [smem:$0x3FB4];
	_ =	sdelay $0x3  }
0x34: {  	[smem:$0x3FB4] =	sst s10  }
0x35: {  	s10 =	sld [smem:$0x3FB3];
	_ =	sdelay $0x3  }
0x36: {  	p1 =	seq.s32 s10, $0x1;
	s10 =	sld [smem:$0x3FB4];
	_ =	sdelay $0x3  }
0x37: {  	[smem:$0x3FB4] =	sst s10  }
0x38: {  	s10 =	sld [smem:$0x3FB5]  }
0x39: {  	_ = 	snop;
	(pc) =	sbr.ind lr, $3  }
0x3a: {  	_ = 	snop  }
0x3b: {  	_ = 	snop  }
0x3c: {  	p2 =	seq.s32 s10, $0x1;
	s10 =	sld [smem:$0x3FB4]  }
0x3d: {  	_ =	shalt  }
0x3e: {  	_ =	shalt  }
0x3f: {  	_ =	shalt  }
0x40: {  	_ =	shalt  }
0x41: {  	_ =	shalt  }
0x42: {  	_ =	shalt  }
0x43: {  	_ =	shalt  }
0x44: {  	_ =	shalt  }
0x45: {  	_ =	shalt  }
0x46: {  	_ =	shalt  }
0x47: {  	_ =	shalt  }
0x48: {  	_ =	shalt  }
0x49: {  	_ =	shalt  }
0x4a: {  	_ =	shalt  }
0x4b: {  	_ =	shalt  }
0x4c: {  	_ =	shalt  }
0x4d: {  	_ =	shalt  }
0x4e: {  	_ =	shalt  }
0x4f: {  	_ =	shalt  }
0x50: {  	_ =	shalt  }
0x51: {  	_ =	shalt  }
0x52: {  	_ =	shalt  }
0x53: {  	_ =	shalt  }
0x54: {  	_ =	shalt  }
0x55: {  	_ =	shalt  }
0x56: {  	_ =	shalt  }
0x57: {  	_ =	shalt  }
0x58: {  	_ =	shalt  }
0x59: {  	_ =	shalt  }
0x5a: {  	_ =	shalt  }
0x5b: {  	_ =	shalt  }
0x5c: {  	_ =	shalt  }
0x5d: {  	_ =	shalt  }
0x5e: {  	_ =	shalt  }
0x5f: {  	_ =	shalt  }
0x60: {  	_ =	shalt  }
0x61: {  	_ =	shalt  }
0x62: {  	_ =	shalt  }
0x63: {  	_ =	shalt  }
0x64: {  	_ =	shalt  }
0x65: {  	_ =	shalt  }
0x66: {  	_ =	shalt  }
0x67: {  	_ =	shalt  }
0x68: {  	_ =	shalt  }
0x69: {  	_ =	shalt  }
0x6a: {  	_ =	shalt  }
0x6b: {  	_ =	shalt  }
0x6c: {  	_ =	shalt  }
0x6d: {  	_ =	shalt  }
0x6e: {  	_ =	shalt  }
0x6f: {  	_ =	shalt  }
0x70: {  	_ =	shalt  }
0x71: {  	_ =	shalt  }
0x72: {  	_ =	shalt  }
0x73: {  	_ =	shalt  }
0x74: {  	_ =	shalt  }
0x75: {  	_ =	shalt  }
0x76: {  	_ =	shalt  }
0x77: {  	_ =	shalt  }
0x78: {  	_ =	shalt  }
0x79: {  	_ =	shalt  }
0x7a: {  	_ =	shalt  }
0x7b: {  	_ =	shalt  }
0x7c: {  	_ =	shalt  }
0x7d: {  	_ =	shalt  }
0x7e: {  	_ =	shalt  }
0x7f: {  	_ =	shalt  }
0x80: {  	_ =	shalt  }
0x81: {  	_ =	shalt  }
0x82: {  	_ =	shalt  }
0x83: {  	_ =	shalt  }
0x84: {  	_ =	shalt  }
0x85: {  	_ =	shalt  }
0x86: {  	_ =	shalt  }
0x87: {  	_ =	shalt  }
.Lfunc_end0:
.L_simem_size_0:
called_computation.2_lowered:
.L_overlay_start_0:
0x88: {  	s2 =	sld [smem:$0x3FD9]  }
0x89: {  	s3 =	sld [smem:$0x3FFE];
	_ =	sdelay $0x1  }
0x8a: {  	s1 =	srdreg.scid  }
0x8b: {  	s0 =	sand.u32 $0x1, s1  }
0x8c: {  	s17 =	sshll.u32 s0, $0xA;
	s2 =	sadd.s32 s3, s2  }
0x8d: {  	s2 =	sadd.s32 s2, s17  }
0x8e: {  	[smem:$0x3FC0] =	sst s2  }
0x8f: {  	_ = 	snop  }
0x90: {  	s2 =	sld [smem:$0x3FD0];
	(tm) =	ssettm $0x1  }
0x91: {  	s18 =	sld [smem:$0x3FFB];
	_ =	sdelay $0x3  }
0x92: {  	_ =	strace s18  }
0x93: {  	s3 =	sld [smem:$0x3FFC];
	_ =	sdelay $0x3  }
0x94: {  	_ =	strace s3  }
0x95: {  	s3 =	sld [smem:$0x3FFD];
	_ =	sdelay $0x3  }
0x96: {  	_ =	strace s3  }
0x97: {  	_ =	strace $0x8FFFFFFF  }
0x98: {  	s19 =	sld [smem:$0x3FDB];
	_ =	sdelay $0x1  }
0x99: {  	s4 =	simm.s32 $_scs_section_size  }
0x9a: {  	s5 =	simm.s32 $_size__tile_overlayer_lowered;
	s6 =	simm.s32 $_tile_overlayer_lowered  }
0x9b: {  	s22 =	simm.s32 $0x1BFF;
	s21 =	sshll.u32 s6, $0x1;
	s3 =	sadd.s32 s4, s19  }
0x9c: {  	s7 =	simm.s32 $0x0;
	s20 =	sshll.u32 s5, $0x1;
	s5 =	sadd.s32 s21, s3  }
0x9d: {  	[timem:s7], [sflag:s22] =	dma.local [hbm:s5], s20  }
0x9e: {  	_ =	swait.ge [sflag:s22], s20  }
0x9f: {  	s4 =	ssub.s32 $0x0, s20;
	[sflag:s22] =	ssyncset.done $0x0  }
0xa0: {  	[sflag:s22] =	ssyncadd.s32 s4;
	_ =	sdelay $0x1  }
0xa1: {  	s23 =	simm.s32 $0x1B8B  }
0xa2: {  	_ =	swait.ge [sflag:s23], $0x1  }
0xa3: {  	[sflag:s23] =	ssyncset.done $0x0  }
0xa4: {  	s25 =	simm.s32 $0x1B8E;
	s24 =	sld [smem:$0x3FFE];
	[sflag:s23] =	ssyncadd.s32 $0xFFFFFFFF  }
0xa5: {  	s26 =	simm.s32 $execute0_lowered;
	[smem:$0x3FD2] =	sst s25  }
0xa6: {  	s5 =	sshll.u32 s26, $0x1;
	_ =	strace $0x8000004C;
	[dreg:$0x1] =	wrdreg $0xFFFFFFFF  }
0xa7: {  	s28 =	simm.s32 $_size_execute0_lowered;
	s3 =	sadd.s32 s3, s5;
	[dreg:$0x0] =	wrdreg $0x0  }
0xa8: {  	s5 =	sshll.u32 s28, $0x1;
	[dreg:$0x2] =	wrdreg s3  }
0xa9: {  	[dreg:$0x3] =	wrdreg s5  }
0xaa: {  	[dreg:$0x4] =	wrdreg $0xC0  }
0xab: {  	_ =	task [dreg:s7], $0x5FFFF  }
0xac: {  	[dreg:$0x1] =	wrdreg $0xFFFFFFFF  }
0xad: {  	[dreg:$0x0] =	wrdreg $0x60  }
0xae: {  	[dreg:$0x2] =	wrdreg s24  }
0xaf: {  	[dreg:$0x3] =	wrdreg s2  }
0xb0: {  	[dreg:$0x4] =	wrdreg $0xA8000  }
0xb1: {  	[dreg:$0x5] =	wrdreg $0x9  }
0xb2: {  	_ =	task.clear_ibuf [dreg:s7], $0x6FFFF;
	_ =	strace $0x9000004C  }
0xb3: {  	s29 =	simm.s32 $0x9;
	_ =	strace $0x8000004E  }
0xb4: {  	_ =	swait.ge [sflag:s29], $0x1  }
0xb5: {  	[sflag:s29] =	ssyncadd.s32 $0xFFFFFFFF  }
0xb6: {  	_ =	strace $0x9000004E  }
0xb7: {  	_ =	sfence  }
0xb8: {  	s30 =	sld [smem:$0x0];
	_ =	sdelay $0x2  }
0xb9: {  	s31 =	sshll.u32 s1, $0xD;
	s1 =	sshrl.u32 s1, $0x2  }
0xba: {  	s3 =	sand.u32 $0x4000, s31;
	s1 =	sadd.s32 s1, s30  }
0xbb: {  	s0 =	sor.u32 s3, s0;
	s1 =	sshll.u32 s1, $0x11  }
0xbc: {  	s0 =	sor.u32 s1, s0  }
0xbd: {  	s0 =	sadd.s32 $0x8F2B, s0  }
0xbe: {  	[sflag:s0] =	ssyncadd.remote.s32 $0x1  }
0xbf: {  	_ =	sfence.sel $0xFFFF  }
0xc0: {  	[dreg:$0x0] =	wrdreg $0xFFFFFFFF;
	(pc) =	sbr.abs _section_cstart, $3  }
0xc1: {  	[dreg:$0x1] =	wrdreg $0xFFFFFFFF  }
0xc2: {  	_ =	task.clear_ibuf [dreg:s7], $0x2FFFF;
	_ =	strace $0x9FFFFFFF  }
0xc3: {  	(tm) =	ssettm $0x7FFFFFFF  }
tec
execute0_lowered:
.L_overlay_start_1:
0x0: {  	(tag) =	ssettag $0x1  }
0x1: {  	s5 =	rddreg [dreg:$0x0]  }
0x2: {  	s10 =	rddreg [dreg:$0x1]  }
0x3: {  	s1 =	rddreg [dreg:$0x2]  }
0x4: {  	s0 =	rddreg [dreg:$0x3];
	s3 =	simm.s32 $0x0;
	s2 =	stileid.u32  }
0x5: {  	s6 =	srdreg.scid;
	s16 =	simm.s32 $0x80;
	s17 =	simm.s32 $0x2800  }
0x6: {  	s18 =	simm.s32 $0x1;
	s19 =	simm.s32 $0x6800;
	s20 =	simm.s32 $0x2  }
0x7: {  	s21 =	simm.s32 $0x1380;
	s22 =	simm.s32 $0x2700;
	s23 =	simm.s32 $0x2780  }
0x8: {  	s24 =	simm.s32 $0x0;
	[smem:$0x7FF] =	sst s3;
	s4 =	sadd.s32 $0x36600, s5  }
0x9: {  	s7 =	smul.u32 $0x2800, s2;
	s8 =	sand.u32 $0x1, s6;
	s11 =	sadd.s32 $0x3E00, s5  }
0xa: {  	s9 =	smul.u32 $0x50000, s2;
	s28 =	sshll.u32 s2, $0x1;
	s31 =	sshll.u32 s2, $0x6  }
0xb: {  	_ =	strace $0x8000004D;
	s6 =	ssub.s32 $0x2, s8;
	s30 =	sor.u32 s8, s28  }
0xc: {  	p0 =	seq.s32 s8, $0x1;
	s12 =	sadd.s32 s7, s5;
	s26 =	sshrl.u32 s6, $0x1  }
0xd: {  	s29 =	sshrl.u32 s9, $0x2;
	s15 =	smul.u32 $0x500, s30;
	s13 =	ssub.s32 s6, s26  }
0xe: {  	s14 =	sadd.s32 s29, s1;
	s5 =	sadd.s32 $0xE600, s12;
	s6 =	sor.u32 $0x1C03, s31  }
0xf: {  	s7 =	smax.u32 s13, $0x1;
	s8 =	sadd.s32 s10, s15;
	s13 =	simm.s32 $0x86600  }
0x10: {  	s9 =	sadd.s32 s11, s15;
	s15 =	sadd.s32 $0x280, s15;
	s13 =	simm.s32 @!p0 $0x5E600  }
0x11: {  	s10 =	sadd.s32 s10, s15;
	s11 =	sadd.s32 s11, s15;
	s15 =	simm.s32 $0x1400  }
0x12: {  	s12 =	sadd.s32 s13, s12;
	s13 =	sshrl.u32 s14, $0x3;
	s14 =	simm.s32 $0x3  }
.LBB2_1:
0x13: {  	[spmem:s13], [sflag:s6] =	dma.local [hbm:s5], $0x2800  }
0x14: {  	_ =	swait.ge [sflag:s14], $0x2800  }
0x15: {  	[sflag:s14] =	ssyncset.done $0x0  }
0x16: {  	[sflag:s14] =	ssyncadd.s32 $0xFFFFD800  }
0x17: {  	[bflag:$0x0] =	sbarrier.arrive $0xFFFF  }
0x18: {  	[tilespmem:s3], [sflag:$0x3] =	stream.linear.gather [hbm4b:s8+s3], $0x1400, $0x38;
	[tilespmem:$0x1E800] =	vst v63  }
0x19: {  	_ =	swait.ge [sflag:s14], $0x1400  }
0x1a: {  	[sflag:s14] =	ssyncset.done $0x0  }
0x1b: {  	[sflag:s14] =	ssyncadd.s32 $0xFFFFEC00  }
0x1c: {  	[tilespmem:s15], [sflag:$0x3] =	stream.linear.gather [hbm4b:s9+s3], $0x1400, $0x38;
	[tilespmem:$0x1E800] =	vst v63  }
0x1d: {  	_ =	swait.ge [sflag:s14], $0x1400  }
0x1e: {  	[sflag:s14] =	ssyncset.done $0x0  }
0x1f: {  	[sflag:s14] =	ssyncadd.s32 $0xFFFFEC00  }
0x20: {  	[tilespmem:s17], [sflag:$0x1] =	stream.indirect.gather [hbm4b:s4+s16], $0x80, s3, s16, $0xb8;
	[tilespmem:$0x1E800] =	vst v63  }
0x21: {  	_ =	swait.ge [sflag:s18], $0x4000  }
0x22: {  	[sflag:s18] =	ssyncset.done $0x0  }
0x23: {  	s25 =	simm.s32 $0x80;
	[sflag:s18] =	ssyncadd.s32 $0xFFFFC000  }
0x24: {  	[tilespmem:s19], [sflag:$0x2] =	stream.indirect.gather [hbm4b:s4+s16], $0x80, s25, s16, $0xb8;
	[tilespmem:$0x1E800] =	vst v63  }
0x25: {  	s29 =	simm.s32 $0x1400  }
0x26: {  	[spmem:s1] =	stream.indirect.scatter.add.f32 [tilespmem:s17], [sflag:$0x3], $0x80, s29, s16, $0xb8;
	[tilespmem:$0x1E800] =	vst v63  }
0x27: {  	_ =	swait.ge [sflag:s14], $0x4000  }
0x28: {  	[sflag:s14] =	ssyncset.done $0x0  }
0x29: {  	s30 =	simm.s32 $0x100;
	[sflag:s14] =	ssyncadd.s32 $0xFFFFC000  }
0x2a: {  	[tilespmem:s17], [sflag:$0x1] =	stream.indirect.gather [hbm4b:s4+s16], $0x80, s30, s16, $0xb8;
	[tilespmem:$0x1E800] =	vst v63  }
0x2b: {  	_ =	swait.ge [sflag:s20], $0x4000  }
0x2c: {  	[sflag:s20] =	ssyncset.done $0x0  }
0x2d: {  	s31 =	simm.s32 $0x1480;
	[sflag:s20] =	ssyncadd.s32 $0xFFFFC000  }
0x2e: {  	[spmem:s1] =	stream.indirect.scatter.add.f32 [tilespmem:s19], [sflag:$0x3], $0x80, s31, s16, $0xb8;
	[tilespmem:$0x1E800] =	vst v63  }
0x2f: {  	_ =	swait.ge [sflag:s14], $0x4000  }
0x30: {  	s25 =	simm.s32 $0x400;
	[sflag:s14] =	ssyncset.done $0x0  }
.LBB2_2:
0x31: {  	p0 =	sne.s32 s25, $0x4800  }
0x32: {  	[sflag:s14] =	ssyncadd.s32 $0xFFFFC000;
	s26 =	smov.u32 s25;
	s25 =	sadd.s32 $0x400, s25  }
0x33: {  	_ =	swait.ge [sflag:s18], $0x4000  }
0x34: {  	s26 =	sshra.s32 s26, $0x2;
	[sflag:s18] =	ssyncset.done $0x0  }
0x35: {  	s28 =	sadd.s32 $0x80, s26;
	[sflag:s18] =	ssyncadd.s32 $0xFFFFC000  }
0x36: {  	[tilespmem:s19], [sflag:$0x2] =	stream.indirect.gather [hbm4b:s4+s16], $0x80, s28, s16, $0xb8;
	[tilespmem:$0x1E800] =	vst v63  }
0x37: {  	s28 =	sadd.s32 $0x1400, s26  }
0x38: {  	[spmem:s1] =	stream.indirect.scatter.add.f32 [tilespmem:s17], [sflag:$0x3], $0x80, s28, s16, $0xb8;
	[tilespmem:$0x1E800] =	vst v63  }
0x39: {  	_ =	swait.ge [sflag:s14], $0x4000  }
0x3a: {  	[sflag:s14] =	ssyncset.done $0x0  }
0x3b: {  	s28 =	sadd.s32 $0x100, s26;
	[sflag:s14] =	ssyncadd.s32 $0xFFFFC000  }
0x3c: {  	[tilespmem:s17], [sflag:$0x1] =	stream.indirect.gather [hbm4b:s4+s16], $0x80, s28, s16, $0xb8;
	[tilespmem:$0x1E800] =	vst v63  }
0x3d: {  	_ =	swait.ge [sflag:s20], $0x4000  }
.Ltmp0:
0x3e: {  	[sflag:s20] =	ssyncset.done $0x0;
	(pc) =	sbr.rel @p0 .LBB2_2-.Ltmp0, $4  }
0x3f: {  	s26 =	sadd.s32 $0x1480, s26;
	[sflag:s20] =	ssyncadd.s32 $0xFFFFC000  }
0x40: {  	[spmem:s1] =	stream.indirect.scatter.add.f32 [tilespmem:s19], [sflag:$0x3], $0x80, s26, s16, $0xb8;
	[tilespmem:$0x1E800] =	vst v63  }
0x41: {  	_ =	swait.ge [sflag:s14], $0x4000  }
0x42: {  	[sflag:s14] =	ssyncset.done $0x0  }
0x43: {  	[sflag:s14] =	ssyncadd.s32 $0xFFFFC000  }
0x44: {  	_ =	swait.ge [sflag:s18], $0x4000  }
0x45: {  	[sflag:s18] =	ssyncset.done $0x0  }
0x46: {  	[sflag:s18] =	ssyncadd.s32 $0xFFFFC000  }
0x47: {  	[tilespmem:s19], [sflag:$0x2] =	stream.indirect.gather [hbm4b:s4+s16], $0x80, s21, s16, $0xb8;
	[tilespmem:$0x1E800] =	vst v63  }
0x48: {  	_ = 	snop  }
0x49: {  	[spmem:s1] =	stream.indirect.scatter.add.f32 [tilespmem:s17], [sflag:$0x3], $0x80, s22, s16, $0xb8;
	[tilespmem:$0x1E800] =	vst v63  }
0x4a: {  	_ =	swait.ge [sflag:s14], $0x4000  }
0x4b: {  	[sflag:s14] =	ssyncset.done $0x0  }
0x4c: {  	[sflag:s14] =	ssyncadd.s32 $0xFFFFC000  }
0x4d: {  	_ =	swait.ge [sflag:s20], $0x4000  }
0x4e: {  	[sflag:s20] =	ssyncset.done $0x0  }
0x4f: {  	[sflag:s20] =	ssyncadd.s32 $0xFFFFC000  }
0x50: {  	[spmem:s1] =	stream.indirect.scatter.add.f32 [tilespmem:s19], [sflag:$0x3], $0x80, s23, s16, $0xb8;
	[tilespmem:$0x1E800] =	vst v63  }
0x51: {  	_ =	swait.ge [sflag:s14], $0x4000  }
0x52: {  	[sflag:s14] =	ssyncset.done $0x0  }
0x53: {  	s25 =	simm.s32 $0x0;
	[sflag:s14] =	ssyncadd.s32 $0xFFFFC000  }
0x54: {  	[tilespmem:s25], [sflag:$0x3] =	stream.linear.gather [hbm4b:s10+s25], $0x1400, $0x38;
	[tilespmem:$0x1E800] =	vst v63  }
0x55: {  	_ =	swait.ge [sflag:s14], $0x1400  }
0x56: {  	[sflag:s14] =	ssyncset.done $0x0  }
0x57: {  	[sflag:s14] =	ssyncadd.s32 $0xFFFFEC00  }
0x58: {  	[tilespmem:s15], [sflag:$0x3] =	stream.linear.gather [hbm4b:s11+s25], $0x1400, $0x38;
	[tilespmem:$0x1E800] =	vst v63  }
0x59: {  	_ =	swait.ge [sflag:s14], $0x1400  }
0x5a: {  	[sflag:s14] =	ssyncset.done $0x0  }
0x5b: {  	[sflag:s14] =	ssyncadd.s32 $0xFFFFEC00  }
0x5c: {  	[tilespmem:s17], [sflag:$0x1] =	stream.indirect.gather [hbm4b:s4+s16], $0x80, s25, s16, $0xb8;
	[tilespmem:$0x1E800] =	vst v63  }
0x5d: {  	_ =	swait.ge [sflag:s18], $0x4000  }
0x5e: {  	[sflag:s18] =	ssyncset.done $0x0  }
0x5f: {  	s28 =	simm.s32 $0x80;
	[sflag:s18] =	ssyncadd.s32 $0xFFFFC000  }
0x60: {  	[tilespmem:s19], [sflag:$0x2] =	stream.indirect.gather [hbm4b:s4+s16], $0x80, s28, s16, $0xb8;
	[tilespmem:$0x1E800] =	vst v63  }
0x61: {  	s29 =	simm.s32 $0x1400  }
0x62: {  	[spmem:s1] =	stream.indirect.scatter.add.f32 [tilespmem:s17], [sflag:$0x3], $0x80, s29, s16, $0xb8;
	[tilespmem:$0x1E800] =	vst v63  }
0x63: {  	_ =	swait.ge [sflag:s14], $0x4000  }
0x64: {  	[sflag:s14] =	ssyncset.done $0x0  }
0x65: {  	s30 =	simm.s32 $0x100;
	[sflag:s14] =	ssyncadd.s32 $0xFFFFC000  }
0x66: {  	[tilespmem:s17], [sflag:$0x1] =	stream.indirect.gather [hbm4b:s4+s16], $0x80, s30, s16, $0xb8;
	[tilespmem:$0x1E800] =	vst v63  }
0x67: {  	_ =	swait.ge [sflag:s20], $0x4000  }
0x68: {  	[sflag:s20] =	ssyncset.done $0x0  }
0x69: {  	s31 =	simm.s32 $0x1480;
	[sflag:s20] =	ssyncadd.s32 $0xFFFFC000  }
0x6a: {  	[spmem:s1] =	stream.indirect.scatter.add.f32 [tilespmem:s19], [sflag:$0x3], $0x80, s31, s16, $0xb8;
	[tilespmem:$0x1E800] =	vst v63  }
0x6b: {  	_ =	swait.ge [sflag:s14], $0x4000  }
0x6c: {  	s25 =	simm.s32 $0x400;
	[sflag:s14] =	ssyncset.done $0x0  }
.LBB2_4:
0x6d: {  	p0 =	sne.s32 s25, $0x4800  }
0x6e: {  	[sflag:s14] =	ssyncadd.s32 $0xFFFFC000;
	s26 =	smov.u32 s25;
	s25 =	sadd.s32 $0x400, s25  }
0x6f: {  	_ =	swait.ge [sflag:s18], $0x4000  }
0x70: {  	s26 =	sshra.s32 s26, $0x2;
	[sflag:s18] =	ssyncset.done $0x0  }
0x71: {  	s28 =	sadd.s32 $0x80, s26;
	[sflag:s18] =	ssyncadd.s32 $0xFFFFC000  }
0x72: {  	[tilespmem:s19], [sflag:$0x2] =	stream.indirect.gather [hbm4b:s4+s16], $0x80, s28, s16, $0xb8;
	[tilespmem:$0x1E800] =	vst v63  }
0x73: {  	s28 =	sadd.s32 $0x1400, s26  }
0x74: {  	[spmem:s1] =	stream.indirect.scatter.add.f32 [tilespmem:s17], [sflag:$0x3], $0x80, s28, s16, $0xb8;
	[tilespmem:$0x1E800] =	vst v63  }
0x75: {  	_ =	swait.ge [sflag:s14], $0x4000  }
0x76: {  	[sflag:s14] =	ssyncset.done $0x0  }
0x77: {  	s28 =	sadd.s32 $0x100, s26;
	[sflag:s14] =	ssyncadd.s32 $0xFFFFC000  }
0x78: {  	[tilespmem:s17], [sflag:$0x1] =	stream.indirect.gather [hbm4b:s4+s16], $0x80, s28, s16, $0xb8;
	[tilespmem:$0x1E800] =	vst v63  }
0x79: {  	_ =	swait.ge [sflag:s20], $0x4000  }
.Ltmp1:
0x7a: {  	[sflag:s20] =	ssyncset.done $0x0;
	(pc) =	sbr.rel @p0 .LBB2_4-.Ltmp1, $4  }
0x7b: {  	s26 =	sadd.s32 $0x1480, s26;
	[sflag:s20] =	ssyncadd.s32 $0xFFFFC000  }
0x7c: {  	[spmem:s1] =	stream.indirect.scatter.add.f32 [tilespmem:s19], [sflag:$0x3], $0x80, s26, s16, $0xb8;
	[tilespmem:$0x1E800] =	vst v63  }
0x7d: {  	_ =	swait.ge [sflag:s14], $0x4000  }
0x7e: {  	[sflag:s14] =	ssyncset.done $0x0  }
0x7f: {  	[sflag:s14] =	ssyncadd.s32 $0xFFFFC000  }
0x80: {  	_ =	swait.ge [sflag:s18], $0x4000  }
0x81: {  	[sflag:s18] =	ssyncset.done $0x0  }
0x82: {  	[sflag:s18] =	ssyncadd.s32 $0xFFFFC000  }
0x83: {  	[tilespmem:s19], [sflag:$0x2] =	stream.indirect.gather [hbm4b:s4+s16], $0x80, s21, s16, $0xb8;
	[tilespmem:$0x1E800] =	vst v63  }
0x84: {  	_ = 	snop  }
0x85: {  	[spmem:s1] =	stream.indirect.scatter.add.f32 [tilespmem:s17], [sflag:$0x3], $0x80, s22, s16, $0xb8;
	[tilespmem:$0x1E800] =	vst v63  }
0x86: {  	_ =	swait.ge [sflag:s14], $0x4000  }
0x87: {  	[sflag:s14] =	ssyncset.done $0x0  }
0x88: {  	[sflag:s14] =	ssyncadd.s32 $0xFFFFC000  }
0x89: {  	_ =	swait.ge [sflag:s20], $0x4000  }
0x8a: {  	[sflag:s20] =	ssyncset.done $0x0  }
0x8b: {  	[sflag:s20] =	ssyncadd.s32 $0xFFFFC000  }
0x8c: {  	[spmem:s1] =	stream.indirect.scatter.add.f32 [tilespmem:s19], [sflag:$0x3], $0x80, s23, s16, $0xb8;
	[tilespmem:$0x1E800] =	vst v63  }
0x8d: {  	_ =	swait.ge [sflag:s14], $0x4000  }
0x8e: {  	s24 =	sadd.s32 $0x1, s24;
	[sflag:s14] =	ssyncset.done $0x0  }
0x8f: {  	p0 =	sne.s32 s24, s7;
	[sflag:s14] =	ssyncadd.s32 $0xFFFFC000  }
.Ltmp2:
0x90: {  	[bflag:$0x0] =	sbarrier.arrive $0xFFFF;
	(pc) =	sbr.rel @p0 .LBB2_1-.Ltmp2, $4  }
0x91: {  	[hbm:s12], [sflag:s6] =	dma.local [spmem:s13], $0x2800  }
0x92: {  	_ =	swait.ge [sflag:s14], $0x2800  }
0x93: {  	[sflag:s14] =	ssyncset.done $0x0  }
0x94: {  	[sflag:s14] =	ssyncadd.s32 $0xFFFFD800  }
0x95: {  	_ =	sfence.sel $0x180000  }
0x96: {  	[bflag:$0x0] =	sbarrier.arrive $0xFFFF  }
0x97: {  	p0 =	sne.s32 s2, $0x0;
	_ =	strace $0x9000004D  }
0x98: {  	s0 =	sadd.s32 @!p0 $0x100000, s0;
	[bflag:$0x2] =	sbarrier.arrive $0xFFFF  }
0x99: {  	[sflag:s0] =	ssyncadd.tile.s32 @!p0 $0x1;
	_ =	shalt  }
.Lfunc_end2:
_tile_overlayer_lowered:
.L_overlay_start_2:
0x9a: {  	(tag) =	ssettag $0x2  }
0x9b: {  	s0 =	rddreg [dreg:$0x0];
	s2 =	stileid.u32  }
0x9c: {  	s1 =	rddreg [dreg:$0x1];
	p0 =	sne.s32 s2, $0x0  }
0x9d: {  	s3 =	rddreg [dreg:$0x2];
	[bflag:$0x3] =	sbarrier.arrive $0xFFFF;
	s2 =	simm.s32 @!p0 $0x1C03  }
0x9e: {  	[timem:s3], [sflag:s2] =	dma.local @!p0 [hbm:s0], s1  }
0x9f: {  	s0 =	simm.s32 @!p0 $0x3  }
0xa0: {  	_ =	swait.ge @!p0 [sflag:s0], s1  }
0xa1: {  	s1 =	ssub.s32 @!p0 $0x0, s1;
	[sflag:s0] =	ssyncset.done @!p0 $0x0  }
0xa2: {  	[sflag:s0] =	ssyncadd.s32 @!p0 s1  }
0xa3: {  	[bflag:$0x3] =	sbarrier.arrive $0xFFFF  }
0xa4: {  	_ =	shalt  }

// kernel: kernel.19.cloned.1.call-start
scs
__scs_entry_jumppad:
0x0: {  	(pc) =	sbr.rel $0x88, $3  }
0x1: {  	(tag) =	ssettag $0x0;
	lr =	simm.s32 $0x1  }
0x2: {  	[smem:$0x3F99] =	sst lr;
	_ =	strace $0xD0000000  }
0x3: {  	_ = 	snop  }
0x4: {  	_ = 	snop  }
0x5: {  	_ = 	snop  }
0x6: {  	_ = 	snop  }
0x7: {  	_ = 	snop  }
__scs_overlays_trampoline_lowered:
0x8: {  	[smem:$0x3FA8] =	sst s0  }
0x9: {  	[smem:$0x3FA9] =	sst s1  }
0xa: {  	[smem:$0x3FAA] =	sst s2  }
0xb: {  	[smem:$0x3FAB] =	sst s3  }
0xc: {  	[smem:$0x3FAC] =	sst s4  }
0xd: {  	[smem:$0x3FAD] =	sst s5  }
0xe: {  	[smem:$0x3FAE] =	sst s6  }
0xf: {  	[smem:$0x3FAF] =	sst s7  }
0x10: {  	[smem:$0x3FB0] =	sst s8  }
0x11: {  	[smem:$0x3FB1] =	sst s9;
	s0 =	simm.s32 @!p0 $0x0  }
0x12: {  	s1 =	sld [smem:$0x3F97];
	s0 =	simm.s32 @p0 $0x1  }
0x13: {  	[smem:$0x3FB2] =	sst s0;
	s0 =	simm.s32 @!p1 $0x0  }
0x14: {  	s2 =	sld [smem:$0x3F96];
	s0 =	simm.s32 @p1 $0x1  }
0x15: {  	[smem:$0x3FB3] =	sst s0;
	s0 =	simm.s32 @!p2 $0x0  }
0x16: {  	s3 =	sld [smem:$0x3FDB];
	s0 =	simm.s32 @p2 $0x1  }
0x17: {  	s4 =	simm.s32 $0x1BF5;
	[smem:$0x3FB5] =	sst s0  }
0x18: {  	s0 =	sld [smem:$0x3F98];
	_ =	swait.ge [sflag:s4], $0x0  }
0x19: {  	s7 =	sld [smem:$0x3F99]  }
0x1a: {  	s8 =	sadd.s32 $0xFFFFE003, lr  }
0x1b: {  	s9 =	sadd.s32 $0xFFFFFEF7, lr;
	s5 =	simm.s32 $0xFFFFFFFF;
	p2 =	slt.u32 s8, $0xFFFFF086  }
0x1c: {  	p1 =	slt.u32 s9, $0xF7A;
	s5 =	simm.s32 @!p2 $0x0  }
0x1d: {  	s5 =	simm.s32 @p1 $0x1;
	p0 =	seq.s32 s7, s2  }
0x1e: {  	s7 =	smul.u32 @!p0 $0xF7A, s2;
	p2 =	seq.s32 @!p0 s5, $0x0  }
0x1f: {  	s9 =	smul.u32 $0xF7A, s1;
	s8 =	simm.s32 @!p0 $0x1BF5;
	p2 =	por !p2, p0  }
0x20: {  	[sflag:s8] =	ssyncset.s32 @!p0 $0xFFFFF086;
	s6 =	sadd.s32 @!p0 s3, s7;
	s7 =	simm.s32 @!p0 $0x108  }
0x21: {  	s3 =	sadd.s32 s3, s9;
	s6 =	sadd.s32 @!p0 $0x88, s6;
	s7 =	simm.s32 @p2 $0x1082  }
0x22: {  	[simem:s7], [sflag:s8] =	dma.local @!p0 [hbm:s6], $0xF7A  }
0x23: {  	s9 =	sor.u32 $0xD0000000, s2;
	s6 =	simm.s32 $0x108;
	_ =	swait.ge @!p0 [sflag:s8], $0x0  }
0x24: {  	s3 =	sadd.s32 $0x88, s3;
	s6 =	simm.s32 @!p1 $0x1082;
	[sflag:s4] =	ssyncset.s32 $0xFFFFF086  }
0x25: {  	[simem:s6], [sflag:s4] =	dma.local [hbm:s3], $0xF7A  }
0x26: {  	[smem:$0x3F99] =	sst s1;
	(tag) =	ssettag s2;
	_ =	strace s9  }
0x27: {  	s1 =	sld [smem:$0x3FA9]  }
0x28: {  	s2 =	sld [smem:$0x3FAA]  }
0x29: {  	s4 =	sld [smem:$0x3FAC]  }
0x2a: {  	p0 =	seq.s32 s5, $0x0;
	s5 =	sld [smem:$0x3FAD]  }
0x2b: {  	s6 =	sld [smem:$0x3FAE]  }
0x2c: {  	s7 =	sld [smem:$0x3FAF]  }
0x2d: {  	s3 =	simm.s32 $0x108;
	s8 =	sld [smem:$0x3FB0]  }
0x2e: {  	s3 =	simm.s32 @!p0 $0x1082;
	s9 =	sld [smem:$0x3FB1]  }
0x2f: {  	lr =	sadd.s32 s0, s3;
	s0 =	sld [smem:$0x3FA8]  }
0x30: {  	s3 =	sld [smem:$0x3FAB]  }
0x31: {  	[smem:$0x3FB4] =	sst s10  }
0x32: {  	s10 =	sld [smem:$0x3FB2];
	_ =	sdelay $0x3  }
0x33: {  	p0 =	seq.s32 s10, $0x1;
	s10 =	sld [smem:$0x3FB4];
	_ =	sdelay $0x3  }
0x34: {  	[smem:$0x3FB4] =	sst s10  }
0x35: {  	s10 =	sld [smem:$0x3FB3];
	_ =	sdelay $0x3  }
0x36: {  	p1 =	seq.s32 s10, $0x1;
	s10 =	sld [smem:$0x3FB4];
	_ =	sdelay $0x3  }
0x37: {  	[smem:$0x3FB4] =	sst s10  }
0x38: {  	s10 =	sld [smem:$0x3FB5]  }
0x39: {  	_ = 	snop;
	(pc) =	sbr.ind lr, $3  }
0x3a: {  	_ = 	snop  }
0x3b: {  	_ = 	snop  }
0x3c: {  	p2 =	seq.s32 s10, $0x1;
	s10 =	sld [smem:$0x3FB4]  }
0x3d: {  	_ =	shalt  }
0x3e: {  	_ =	shalt  }
0x3f: {  	_ =	shalt  }
0x40: {  	_ =	shalt  }
0x41: {  	_ =	shalt  }
0x42: {  	_ =	shalt  }
0x43: {  	_ =	shalt  }
0x44: {  	_ =	shalt  }
0x45: {  	_ =	shalt  }
0x46: {  	_ =	shalt  }
0x47: {  	_ =	shalt  }
0x48: {  	_ =	shalt  }
0x49: {  	_ =	shalt  }
0x4a: {  	_ =	shalt  }
0x4b: {  	_ =	shalt  }
0x4c: {  	_ =	shalt  }
0x4d: {  	_ =	shalt  }
0x4e: {  	_ =	shalt  }
0x4f: {  	_ =	shalt  }
0x50: {  	_ =	shalt  }
0x51: {  	_ =	shalt  }
0x52: {  	_ =	shalt  }
0x53: {  	_ =	shalt  }
0x54: {  	_ =	shalt  }
0x55: {  	_ =	shalt  }
0x56: {  	_ =	shalt  }
0x57: {  	_ =	shalt  }
0x58: {  	_ =	shalt  }
0x59: {  	_ =	shalt  }
0x5a: {  	_ =	shalt  }
0x5b: {  	_ =	shalt  }
0x5c: {  	_ =	shalt  }
0x5d: {  	_ =	shalt  }
0x5e: {  	_ =	shalt  }
0x5f: {  	_ =	shalt  }
0x60: {  	_ =	shalt  }
0x61: {  	_ =	shalt  }
0x62: {  	_ =	shalt  }
0x63: {  	_ =	shalt  }
0x64: {  	_ =	shalt  }
0x65: {  	_ =	shalt  }
0x66: {  	_ =	shalt  }
0x67: {  	_ =	shalt  }
0x68: {  	_ =	shalt  }
0x69: {  	_ =	shalt  }
0x6a: {  	_ =	shalt  }
0x6b: {  	_ =	shalt  }
0x6c: {  	_ =	shalt  }
0x6d: {  	_ =	shalt  }
0x6e: {  	_ =	shalt  }
0x6f: {  	_ =	shalt  }
0x70: {  	_ =	shalt  }
0x71: {  	_ =	shalt  }
0x72: {  	_ =	shalt  }
0x73: {  	_ =	shalt  }
0x74: {  	_ =	shalt  }
0x75: {  	_ =	shalt  }
0x76: {  	_ =	shalt  }
0x77: {  	_ =	shalt  }
0x78: {  	_ =	shalt  }
0x79: {  	_ =	shalt  }
0x7a: {  	_ =	shalt  }
0x7b: {  	_ =	shalt  }
0x7c: {  	_ =	shalt  }
0x7d: {  	_ =	shalt  }
0x7e: {  	_ =	shalt  }
0x7f: {  	_ =	shalt  }
0x80: {  	_ =	shalt  }
0x81: {  	_ =	shalt  }
0x82: {  	_ =	shalt  }
0x83: {  	_ =	shalt  }
0x84: {  	_ =	shalt  }
0x85: {  	_ =	shalt  }
0x86: {  	_ =	shalt  }
0x87: {  	_ =	shalt  }
.Lfunc_end0:
.L_simem_size_0:
called_computation.3_lowered:
.L_overlay_start_0:
0x88: {  	s2 =	sld [smem:$0x3FD9]  }
0x89: {  	s3 =	sld [smem:$0x3FFE];
	_ =	sdelay $0x1  }
0x8a: {  	s1 =	srdreg.scid  }
0x8b: {  	s0 =	sand.u32 $0x1, s1  }
0x8c: {  	s17 =	sshll.u32 s0, $0xA;
	s2 =	sadd.s32 s3, s2  }
0x8d: {  	s2 =	sadd.s32 s2, s17  }
0x8e: {  	[smem:$0x3FC0] =	sst s2  }
0x8f: {  	_ = 	snop  }
0x90: {  	s2 =	sld [smem:$0x3FD0];
	(tm) =	ssettm $0x1  }
0x91: {  	s18 =	sld [smem:$0x3FFB];
	_ =	sdelay $0x3  }
0x92: {  	_ =	strace s18  }
0x93: {  	s3 =	sld [smem:$0x3FFC];
	_ =	sdelay $0x3  }
0x94: {  	_ =	strace s3  }
0x95: {  	s3 =	sld [smem:$0x3FFD];
	_ =	sdelay $0x3  }
0x96: {  	_ =	strace s3  }
0x97: {  	_ =	strace $0x8FFFFFFF  }
0x98: {  	s19 =	sld [smem:$0x3FDB];
	_ =	sdelay $0x1  }
0x99: {  	s4 =	simm.s32 $_scs_section_size  }
0x9a: {  	s5 =	simm.s32 $_size__tile_overlayer_lowered;
	s6 =	simm.s32 $_tile_overlayer_lowered  }
0x9b: {  	s22 =	simm.s32 $0x1BFF;
	s21 =	sshll.u32 s6, $0x1;
	s3 =	sadd.s32 s4, s19  }
0x9c: {  	s7 =	simm.s32 $0x0;
	s20 =	sshll.u32 s5, $0x1;
	s5 =	sadd.s32 s21, s3  }
0x9d: {  	[timem:s7], [sflag:s22] =	dma.local [hbm:s5], s20  }
0x9e: {  	_ =	swait.ge [sflag:s22], s20  }
0x9f: {  	s4 =	ssub.s32 $0x0, s20;
	[sflag:s22] =	ssyncset.done $0x0  }
0xa0: {  	[sflag:s22] =	ssyncadd.s32 s4;
	_ =	sdelay $0x1  }
0xa1: {  	s23 =	simm.s32 $0x1B8B  }
0xa2: {  	_ =	swait.ge [sflag:s23], $0x1  }
0xa3: {  	[sflag:s23] =	ssyncset.done $0x0  }
0xa4: {  	s25 =	simm.s32 $0x1B8E;
	s24 =	sld [smem:$0x3FFE];
	[sflag:s23] =	ssyncadd.s32 $0xFFFFFFFF  }
0xa5: {  	s26 =	simm.s32 $execute0_lowered;
	[smem:$0x3FD2] =	sst s25  }
0xa6: {  	s5 =	sshll.u32 s26, $0x1;
	_ =	strace $0x8000004F;
	[dreg:$0x1] =	wrdreg $0xFFFFFFFF  }
0xa7: {  	s28 =	simm.s32 $_size_execute0_lowered;
	s3 =	sadd.s32 s3, s5;
	[dreg:$0x0] =	wrdreg $0x0  }
0xa8: {  	s5 =	sshll.u32 s28, $0x1;
	[dreg:$0x2] =	wrdreg s3  }
0xa9: {  	[dreg:$0x3] =	wrdreg s5  }
0xaa: {  	[dreg:$0x4] =	wrdreg $0xC0  }
0xab: {  	_ =	task [dreg:s7], $0x5FFFF  }
0xac: {  	[dreg:$0x1] =	wrdreg $0xFFFFFFFF  }
0xad: {  	[dreg:$0x0] =	wrdreg $0x60  }
0xae: {  	[dreg:$0x2] =	wrdreg s24  }
0xaf: {  	[dreg:$0x3] =	wrdreg s2  }
0xb0: {  	[dreg:$0x4] =	wrdreg $0xA8000  }
0xb1: {  	[dreg:$0x5] =	wrdreg $0x9  }
0xb2: {  	_ =	task.clear_ibuf [dreg:s7], $0x6FFFF;
	_ =	strace $0x9000004F  }
0xb3: {  	s29 =	simm.s32 $0x9;
	_ =	strace $0x80000051  }
0xb4: {  	_ =	swait.ge [sflag:s29], $0x1  }
0xb5: {  	[sflag:s29] =	ssyncadd.s32 $0xFFFFFFFF  }
0xb6: {  	_ =	strace $0x90000051  }
0xb7: {  	_ =	sfence  }
0xb8: {  	s30 =	sld [smem:$0x0];
	_ =	sdelay $0x2  }
0xb9: {  	s31 =	sshll.u32 s1, $0xD;
	s1 =	sshrl.u32 s1, $0x2  }
0xba: {  	s3 =	sand.u32 $0x4000, s31;
	s1 =	sadd.s32 s1, s30  }
0xbb: {  	s0 =	sor.u32 s3, s0;
	s1 =	sshll.u32 s1, $0x11  }
0xbc: {  	s0 =	sor.u32 s1, s0  }
0xbd: {  	s0 =	sadd.s32 $0x8F2B, s0  }
0xbe: {  	[sflag:s0] =	ssyncadd.remote.s32 $0x1  }
0xbf: {  	_ =	sfence.sel $0xFFFF  }
0xc0: {  	[dreg:$0x0] =	wrdreg $0xFFFFFFFF;
	(pc) =	sbr.abs _section_cstart, $3  }
0xc1: {  	[dreg:$0x1] =	wrdreg $0xFFFFFFFF  }
0xc2: {  	_ =	task.clear_ibuf [dreg:s7], $0x2FFFF;
	_ =	strace $0x9FFFFFFF  }
0xc3: {  	(tm) =	ssettm $0x7FFFFFFF  }
tec
execute0_lowered:
.L_overlay_start_1:
0x0: {  	(tag) =	ssettag $0x1  }
0x1: {  	s5 =	rddreg [dreg:$0x0]  }
0x2: {  	s10 =	rddreg [dreg:$0x1]  }
0x3: {  	s1 =	rddreg [dreg:$0x2]  }
0x4: {  	s0 =	rddreg [dreg:$0x3];
	s3 =	simm.s32 $0x0;
	s2 =	stileid.u32  }
0x5: {  	s6 =	srdreg.scid;
	s16 =	simm.s32 $0x80;
	s17 =	simm.s32 $0x2800  }
0x6: {  	s18 =	simm.s32 $0x1;
	s19 =	simm.s32 $0x6800;
	s20 =	simm.s32 $0x2  }
0x7: {  	s21 =	simm.s32 $0x1380;
	s22 =	simm.s32 $0x2700;
	s23 =	simm.s32 $0x2780  }
0x8: {  	s24 =	simm.s32 $0x0;
	[smem:$0x7FF] =	sst s3;
	s4 =	sadd.s32 $0x36600, s5  }
0x9: {  	s7 =	smul.u32 $0x2800, s2;
	s8 =	sand.u32 $0x1, s6;
	s11 =	sadd.s32 $0x3E00, s5  }
0xa: {  	s9 =	smul.u32 $0x50000, s2;
	s28 =	sshll.u32 s2, $0x1;
	s31 =	sshll.u32 s2, $0x6  }
0xb: {  	_ =	strace $0x80000050;
	s6 =	ssub.s32 $0x2, s8;
	s30 =	sor.u32 s8, s28  }
0xc: {  	p0 =	seq.s32 s8, $0x1;
	s12 =	sadd.s32 s7, s5;
	s26 =	sshrl.u32 s6, $0x1  }
0xd: {  	s29 =	sshrl.u32 s9, $0x2;
	s15 =	smul.u32 $0x500, s30;
	s13 =	ssub.s32 s6, s26  }
0xe: {  	s14 =	sadd.s32 s29, s1;
	s5 =	sadd.s32 $0xE600, s12;
	s6 =	sor.u32 $0x1C03, s31  }
0xf: {  	s7 =	smax.u32 s13, $0x1;
	s8 =	sadd.s32 s10, s15;
	s13 =	simm.s32 $0x86600  }
0x10: {  	s9 =	sadd.s32 s11, s15;
	s15 =	sadd.s32 $0x280, s15;
	s13 =	simm.s32 @!p0 $0x5E600  }
0x11: {  	s10 =	sadd.s32 s10, s15;
	s11 =	sadd.s32 s11, s15;
	s15 =	simm.s32 $0x1400  }
0x12: {  	s12 =	sadd.s32 s13, s12;
	s13 =	sshrl.u32 s14, $0x3;
	s14 =	simm.s32 $0x3  }
.LBB2_1:
0x13: {  	[spmem:s13], [sflag:s6] =	dma.local [hbm:s5], $0x2800  }
0x14: {  	_ =	swait.ge [sflag:s14], $0x2800  }
0x15: {  	[sflag:s14] =	ssyncset.done $0x0  }
0x16: {  	[sflag:s14] =	ssyncadd.s32 $0xFFFFD800  }
0x17: {  	[bflag:$0x0] =	sbarrier.arrive $0xFFFF  }
0x18: {  	[tilespmem:s3], [sflag:$0x3] =	stream.linear.gather [hbm4b:s8+s3], $0x1400, $0x38;
	[tilespmem:$0x1E800] =	vst v63  }
0x19: {  	_ =	swait.ge [sflag:s14], $0x1400  }
0x1a: {  	[sflag:s14] =	ssyncset.done $0x0  }
0x1b: {  	[sflag:s14] =	ssyncadd.s32 $0xFFFFEC00  }
0x1c: {  	[tilespmem:s15], [sflag:$0x3] =	stream.linear.gather [hbm4b:s9+s3], $0x1400, $0x38;
	[tilespmem:$0x1E800] =	vst v63  }
0x1d: {  	_ =	swait.ge [sflag:s14], $0x1400  }
0x1e: {  	[sflag:s14] =	ssyncset.done $0x0  }
0x1f: {  	[sflag:s14] =	ssyncadd.s32 $0xFFFFEC00  }
0x20: {  	[tilespmem:s17], [sflag:$0x1] =	stream.indirect.gather [hbm4b:s4+s16], $0x80, s3, s16, $0xb8;
	[tilespmem:$0x1E800] =	vst v63  }
0x21: {  	_ =	swait.ge [sflag:s18], $0x4000  }
0x22: {  	[sflag:s18] =	ssyncset.done $0x0  }
0x23: {  	s25 =	simm.s32 $0x80;
	[sflag:s18] =	ssyncadd.s32 $0xFFFFC000  }
0x24: {  	[tilespmem:s19], [sflag:$0x2] =	stream.indirect.gather [hbm4b:s4+s16], $0x80, s25, s16, $0xb8;
	[tilespmem:$0x1E800] =	vst v63  }
0x25: {  	s29 =	simm.s32 $0x1400  }
0x26: {  	[spmem:s1] =	stream.indirect.scatter.add.f32 [tilespmem:s17], [sflag:$0x3], $0x80, s29, s16, $0xb8;
	[tilespmem:$0x1E800] =	vst v63  }
0x27: {  	_ =	swait.ge [sflag:s14], $0x4000  }
0x28: {  	[sflag:s14] =	ssyncset.done $0x0  }
0x29: {  	s30 =	simm.s32 $0x100;
	[sflag:s14] =	ssyncadd.s32 $0xFFFFC000  }
0x2a: {  	[tilespmem:s17], [sflag:$0x1] =	stream.indirect.gather [hbm4b:s4+s16], $0x80, s30, s16, $0xb8;
	[tilespmem:$0x1E800] =	vst v63  }
0x2b: {  	_ =	swait.ge [sflag:s20], $0x4000  }
0x2c: {  	[sflag:s20] =	ssyncset.done $0x0  }
0x2d: {  	s31 =	simm.s32 $0x1480;
	[sflag:s20] =	ssyncadd.s32 $0xFFFFC000  }
0x2e: {  	[spmem:s1] =	stream.indirect.scatter.add.f32 [tilespmem:s19], [sflag:$0x3], $0x80, s31, s16, $0xb8;
	[tilespmem:$0x1E800] =	vst v63  }
0x2f: {  	_ =	swait.ge [sflag:s14], $0x4000  }
0x30: {  	s25 =	simm.s32 $0x400;
	[sflag:s14] =	ssyncset.done $0x0  }
.LBB2_2:
0x31: {  	p0 =	sne.s32 s25, $0x4800  }
0x32: {  	[sflag:s14] =	ssyncadd.s32 $0xFFFFC000;
	s26 =	smov.u32 s25;
	s25 =	sadd.s32 $0x400, s25  }
0x33: {  	_ =	swait.ge [sflag:s18], $0x4000  }
0x34: {  	s26 =	sshra.s32 s26, $0x2;
	[sflag:s18] =	ssyncset.done $0x0  }
0x35: {  	s28 =	sadd.s32 $0x80, s26;
	[sflag:s18] =	ssyncadd.s32 $0xFFFFC000  }
0x36: {  	[tilespmem:s19], [sflag:$0x2] =	stream.indirect.gather [hbm4b:s4+s16], $0x80, s28, s16, $0xb8;
	[tilespmem:$0x1E800] =	vst v63  }
0x37: {  	s28 =	sadd.s32 $0x1400, s26  }
0x38: {  	[spmem:s1] =	stream.indirect.scatter.add.f32 [tilespmem:s17], [sflag:$0x3], $0x80, s28, s16, $0xb8;
	[tilespmem:$0x1E800] =	vst v63  }
0x39: {  	_ =	swait.ge [sflag:s14], $0x4000  }
0x3a: {  	[sflag:s14] =	ssyncset.done $0x0  }
0x3b: {  	s28 =	sadd.s32 $0x100, s26;
	[sflag:s14] =	ssyncadd.s32 $0xFFFFC000  }
0x3c: {  	[tilespmem:s17], [sflag:$0x1] =	stream.indirect.gather [hbm4b:s4+s16], $0x80, s28, s16, $0xb8;
	[tilespmem:$0x1E800] =	vst v63  }
0x3d: {  	_ =	swait.ge [sflag:s20], $0x4000  }
.Ltmp0:
0x3e: {  	[sflag:s20] =	ssyncset.done $0x0;
	(pc) =	sbr.rel @p0 .LBB2_2-.Ltmp0, $4  }
0x3f: {  	s26 =	sadd.s32 $0x1480, s26;
	[sflag:s20] =	ssyncadd.s32 $0xFFFFC000  }
0x40: {  	[spmem:s1] =	stream.indirect.scatter.add.f32 [tilespmem:s19], [sflag:$0x3], $0x80, s26, s16, $0xb8;
	[tilespmem:$0x1E800] =	vst v63  }
0x41: {  	_ =	swait.ge [sflag:s14], $0x4000  }
0x42: {  	[sflag:s14] =	ssyncset.done $0x0  }
0x43: {  	[sflag:s14] =	ssyncadd.s32 $0xFFFFC000  }
0x44: {  	_ =	swait.ge [sflag:s18], $0x4000  }
0x45: {  	[sflag:s18] =	ssyncset.done $0x0  }
0x46: {  	[sflag:s18] =	ssyncadd.s32 $0xFFFFC000  }
0x47: {  	[tilespmem:s19], [sflag:$0x2] =	stream.indirect.gather [hbm4b:s4+s16], $0x80, s21, s16, $0xb8;
	[tilespmem:$0x1E800] =	vst v63  }
0x48: {  	_ = 	snop  }
0x49: {  	[spmem:s1] =	stream.indirect.scatter.add.f32 [tilespmem:s17], [sflag:$0x3], $0x80, s22, s16, $0xb8;
	[tilespmem:$0x1E800] =	vst v63  }
0x4a: {  	_ =	swait.ge [sflag:s14], $0x4000  }
0x4b: {  	[sflag:s14] =	ssyncset.done $0x0  }
0x4c: {  	[sflag:s14] =	ssyncadd.s32 $0xFFFFC000  }
0x4d: {  	_ =	swait.ge [sflag:s20], $0x4000  }
0x4e: {  	[sflag:s20] =	ssyncset.done $0x0  }
0x4f: {  	[sflag:s20] =	ssyncadd.s32 $0xFFFFC000  }
0x50: {  	[spmem:s1] =	stream.indirect.scatter.add.f32 [tilespmem:s19], [sflag:$0x3], $0x80, s23, s16, $0xb8;
	[tilespmem:$0x1E800] =	vst v63  }
0x51: {  	_ =	swait.ge [sflag:s14], $0x4000  }
0x52: {  	[sflag:s14] =	ssyncset.done $0x0  }
0x53: {  	s25 =	simm.s32 $0x0;
	[sflag:s14] =	ssyncadd.s32 $0xFFFFC000  }
0x54: {  	[tilespmem:s25], [sflag:$0x3] =	stream.linear.gather [hbm4b:s10+s25], $0x1400, $0x38;
	[tilespmem:$0x1E800] =	vst v63  }
0x55: {  	_ =	swait.ge [sflag:s14], $0x1400  }
0x56: {  	[sflag:s14] =	ssyncset.done $0x0  }
0x57: {  	[sflag:s14] =	ssyncadd.s32 $0xFFFFEC00  }
0x58: {  	[tilespmem:s15], [sflag:$0x3] =	stream.linear.gather [hbm4b:s11+s25], $0x1400, $0x38;
	[tilespmem:$0x1E800] =	vst v63  }
0x59: {  	_ =	swait.ge [sflag:s14], $0x1400  }
0x5a: {  	[sflag:s14] =	ssyncset.done $0x0  }
0x5b: {  	[sflag:s14] =	ssyncadd.s32 $0xFFFFEC00  }
0x5c: {  	[tilespmem:s17], [sflag:$0x1] =	stream.indirect.gather [hbm4b:s4+s16], $0x80, s25, s16, $0xb8;
	[tilespmem:$0x1E800] =	vst v63  }
0x5d: {  	_ =	swait.ge [sflag:s18], $0x4000  }
0x5e: {  	[sflag:s18] =	ssyncset.done $0x0  }
0x5f: {  	s28 =	simm.s32 $0x80;
	[sflag:s18] =	ssyncadd.s32 $0xFFFFC000  }
0x60: {  	[tilespmem:s19], [sflag:$0x2] =	stream.indirect.gather [hbm4b:s4+s16], $0x80, s28, s16, $0xb8;
	[tilespmem:$0x1E800] =	vst v63  }
0x61: {  	s29 =	simm.s32 $0x1400  }
0x62: {  	[spmem:s1] =	stream.indirect.scatter.add.f32 [tilespmem:s17], [sflag:$0x3], $0x80, s29, s16, $0xb8;
	[tilespmem:$0x1E800] =	vst v63  }
0x63: {  	_ =	swait.ge [sflag:s14], $0x4000  }
0x64: {  	[sflag:s14] =	ssyncset.done $0x0  }
0x65: {  	s30 =	simm.s32 $0x100;
	[sflag:s14] =	ssyncadd.s32 $0xFFFFC000  }
0x66: {  	[tilespmem:s17], [sflag:$0x1] =	stream.indirect.gather [hbm4b:s4+s16], $0x80, s30, s16, $0xb8;
	[tilespmem:$0x1E800] =	vst v63  }
0x67: {  	_ =	swait.ge [sflag:s20], $0x4000  }
0x68: {  	[sflag:s20] =	ssyncset.done $0x0  }
0x69: {  	s31 =	simm.s32 $0x1480;
	[sflag:s20] =	ssyncadd.s32 $0xFFFFC000  }
0x6a: {  	[spmem:s1] =	stream.indirect.scatter.add.f32 [tilespmem:s19], [sflag:$0x3], $0x80, s31, s16, $0xb8;
	[tilespmem:$0x1E800] =	vst v63  }
0x6b: {  	_ =	swait.ge [sflag:s14], $0x4000  }
0x6c: {  	s25 =	simm.s32 $0x400;
	[sflag:s14] =	ssyncset.done $0x0  }
.LBB2_4:
0x6d: {  	p0 =	sne.s32 s25, $0x4800  }
0x6e: {  	[sflag:s14] =	ssyncadd.s32 $0xFFFFC000;
	s26 =	smov.u32 s25;
	s25 =	sadd.s32 $0x400, s25  }
0x6f: {  	_ =	swait.ge [sflag:s18], $0x4000  }
0x70: {  	s26 =	sshra.s32 s26, $0x2;
	[sflag:s18] =	ssyncset.done $0x0  }
0x71: {  	s28 =	sadd.s32 $0x80, s26;
	[sflag:s18] =	ssyncadd.s32 $0xFFFFC000  }
0x72: {  	[tilespmem:s19], [sflag:$0x2] =	stream.indirect.gather [hbm4b:s4+s16], $0x80, s28, s16, $0xb8;
	[tilespmem:$0x1E800] =	vst v63  }
0x73: {  	s28 =	sadd.s32 $0x1400, s26  }
0x74: {  	[spmem:s1] =	stream.indirect.scatter.add.f32 [tilespmem:s17], [sflag:$0x3], $0x80, s28, s16, $0xb8;
	[tilespmem:$0x1E800] =	vst v63  }
0x75: {  	_ =	swait.ge [sflag:s14], $0x4000  }
0x76: {  	[sflag:s14] =	ssyncset.done $0x0  }
0x77: {  	s28 =	sadd.s32 $0x100, s26;
	[sflag:s14] =	ssyncadd.s32 $0xFFFFC000  }
0x78: {  	[tilespmem:s17], [sflag:$0x1] =	stream.indirect.gather [hbm4b:s4+s16], $0x80, s28, s16, $0xb8;
	[tilespmem:$0x1E800] =	vst v63  }
0x79: {  	_ =	swait.ge [sflag:s20], $0x4000  }
.Ltmp1:
0x7a: {  	[sflag:s20] =	ssyncset.done $0x0;
	(pc) =	sbr.rel @p0 .LBB2_4-.Ltmp1, $4  }
0x7b: {  	s26 =	sadd.s32 $0x1480, s26;
	[sflag:s20] =	ssyncadd.s32 $0xFFFFC000  }
0x7c: {  	[spmem:s1] =	stream.indirect.scatter.add.f32 [tilespmem:s19], [sflag:$0x3], $0x80, s26, s16, $0xb8;
	[tilespmem:$0x1E800] =	vst v63  }
0x7d: {  	_ =	swait.ge [sflag:s14], $0x4000  }
0x7e: {  	[sflag:s14] =	ssyncset.done $0x0  }
0x7f: {  	[sflag:s14] =	ssyncadd.s32 $0xFFFFC000  }
0x80: {  	_ =	swait.ge [sflag:s18], $0x4000  }
0x81: {  	[sflag:s18] =	ssyncset.done $0x0  }
0x82: {  	[sflag:s18] =	ssyncadd.s32 $0xFFFFC000  }
0x83: {  	[tilespmem:s19], [sflag:$0x2] =	stream.indirect.gather [hbm4b:s4+s16], $0x80, s21, s16, $0xb8;
	[tilespmem:$0x1E800] =	vst v63  }
0x84: {  	_ = 	snop  }
0x85: {  	[spmem:s1] =	stream.indirect.scatter.add.f32 [tilespmem:s17], [sflag:$0x3], $0x80, s22, s16, $0xb8;
	[tilespmem:$0x1E800] =	vst v63  }
0x86: {  	_ =	swait.ge [sflag:s14], $0x4000  }
0x87: {  	[sflag:s14] =	ssyncset.done $0x0  }
0x88: {  	[sflag:s14] =	ssyncadd.s32 $0xFFFFC000  }
0x89: {  	_ =	swait.ge [sflag:s20], $0x4000  }
0x8a: {  	[sflag:s20] =	ssyncset.done $0x0  }
0x8b: {  	[sflag:s20] =	ssyncadd.s32 $0xFFFFC000  }
0x8c: {  	[spmem:s1] =	stream.indirect.scatter.add.f32 [tilespmem:s19], [sflag:$0x3], $0x80, s23, s16, $0xb8;
	[tilespmem:$0x1E800] =	vst v63  }
0x8d: {  	_ =	swait.ge [sflag:s14], $0x4000  }
0x8e: {  	s24 =	sadd.s32 $0x1, s24;
	[sflag:s14] =	ssyncset.done $0x0  }
0x8f: {  	p0 =	sne.s32 s24, s7;
	[sflag:s14] =	ssyncadd.s32 $0xFFFFC000  }
.Ltmp2:
0x90: {  	[bflag:$0x0] =	sbarrier.arrive $0xFFFF;
	(pc) =	sbr.rel @p0 .LBB2_1-.Ltmp2, $4  }
0x91: {  	[hbm:s12], [sflag:s6] =	dma.local [spmem:s13], $0x2800  }
0x92: {  	_ =	swait.ge [sflag:s14], $0x2800  }
0x93: {  	[sflag:s14] =	ssyncset.done $0x0  }
0x94: {  	[sflag:s14] =	ssyncadd.s32 $0xFFFFD800  }
0x95: {  	_ =	sfence.sel $0x180000  }
0x96: {  	[bflag:$0x0] =	sbarrier.arrive $0xFFFF  }
0x97: {  	p0 =	sne.s32 s2, $0x0;
	_ =	strace $0x90000050  }
0x98: {  	s0 =	sadd.s32 @!p0 $0x100000, s0;
	[bflag:$0x2] =	sbarrier.arrive $0xFFFF  }
0x99: {  	[sflag:s0] =	ssyncadd.tile.s32 @!p0 $0x1;
	_ =	shalt  }
.Lfunc_end2:
_tile_overlayer_lowered:
.L_overlay_start_2:
0x9a: {  	(tag) =	ssettag $0x2  }
0x9b: {  	s0 =	rddreg [dreg:$0x0];
	s2 =	stileid.u32  }
0x9c: {  	s1 =	rddreg [dreg:$0x1];
	p0 =	sne.s32 s2, $0x0  }
0x9d: {  	s3 =	rddreg [dreg:$0x2];
	[bflag:$0x3] =	sbarrier.arrive $0xFFFF;
	s2 =	simm.s32 @!p0 $0x1C03  }
0x9e: {  	[timem:s3], [sflag:s2] =	dma.local @!p0 [hbm:s0], s1  }
0x9f: {  	s0 =	simm.s32 @!p0 $0x3  }
0xa0: {  	_ =	swait.ge @!p0 [sflag:s0], s1  }
0xa1: {  	s1 =	ssub.s32 @!p0 $0x0, s1;
	[sflag:s0] =	ssyncset.done @!p0 $0x0  }
0xa2: {  	[sflag:s0] =	ssyncadd.s32 @!p0 s1  }
0xa3: {  	[bflag:$0x3] =	sbarrier.arrive $0xFFFF  }
0xa4: {  	_ =	shalt  }

</sc_bundles>
